<compile_context>
chip_gen: v7x
topology: tpu7x:2x2x1
jax: 0.10.2.dev20260603
libtpu: 0.0.44.dev20260713+nightly
codegen_flags: <defaults>
</compile_context>

<pallas_src>
import functools

import numpy as np
import jax
import jax.numpy as jnp
from jax import lax
from jax.experimental import pallas as pl
from jax.experimental.pallas import tpu as pltpu
from jax.experimental.pallas import tpu_sc as plsc

_N = 8192
_m = 4
_n = 16384
_B = 16
_M = 65536
_b = (2.0 - 1.0 / 2.0) * np.pi

_NTAB = _n + 16
_HALF = _M // 2
_CHUNK = 8192
_DEG = 4


def _tap_coeffs():
    u = np.linspace(-1.0, 0.0, 8001)
    coefs = []
    for l in range(8):
        t = u + 4.0 - l
        v = 16.0 - t * t
        s = np.sqrt(np.maximum(v, 0.0))
        y = np.where(v > 1e-30, np.sinh(_b * s) / (np.pi * np.maximum(s, 1e-300)), _b / np.pi)
        c = np.polynomial.chebyshev.Chebyshev.fit(u, y, _DEG, domain=[-1.0, 0.0])
        p = c.convert(kind=np.polynomial.Polynomial)
        coefs.append([float(cc) for cc in p.coef])
    return coefs


_COEF = _tap_coeffs()


def _sc_body(x_hbm, gre_hbm, gim_hbm, fre_hbm, fim_hbm,
             gre_v, gim_v, x_v0, x_v1, ore_v0, ore_v1, oim_v0, oim_v1,
             sem_t0, sem_t1, sem_x0, sem_x1, sem_o0, sem_o1):
    wid = lax.axis_index("s") * 2 + lax.axis_index("c")
    batch = wid // 2
    half = wid % 2
    xbuf = (x_v0, x_v1)
    rebuf = (ore_v0, ore_v1)
    imbuf = (oim_v0, oim_v1)
    sem_x = (sem_x0, sem_x1)
    sem_o = (sem_o0, sem_o1)
    nchunks = _HALF // _CHUNK

    def x_copy(ci):
        roff = half * _HALF + ci * _CHUNK
        return pltpu.async_copy(x_hbm.at[batch, pl.ds(roff, _CHUNK)],
                                xbuf[ci % 2], sem_x[ci % 2])

    t0 = pltpu.async_copy(gre_hbm.at[batch], gre_v.at[pl.ds(0, _n)], sem_t0)
    t1 = pltpu.async_copy(gim_hbm.at[batch], gim_v.at[pl.ds(0, _n)], sem_t1)
    t2 = pltpu.async_copy(gre_hbm.at[batch, pl.ds(0, 16)], gre_v.at[pl.ds(_n, 16)], sem_t0)
    t3 = pltpu.async_copy(gim_hbm.at[batch, pl.ds(0, 16)], gim_v.at[pl.ds(_n, 16)], sem_t1)
    xd = x_copy(0)
    t0.wait()
    t1.wait()
    t2.wait()
    t3.wait()
    out_pending = [None, None]

    for ci in range(nchunks):
        cur = ci % 2
        roff = half * _HALF + ci * _CHUNK
        xd.wait()
        if ci + 1 < nchunks:
            xd = x_copy(ci + 1)
        if out_pending[cur] is not None:
            for d in out_pending[cur]:
                d.wait()
        x_v = xbuf[cur]
        ore_v = rebuf[cur]
        oim_v = imbuf[cur]

        def body(i, carry):
            base = i * 16
            xx = x_v[pl.ds(base, 16)]
            y = xx * np.float32(_n)
            ti = y.astype(jnp.int32)
            tf = ti.astype(jnp.float32)
            up = (y > tf)
            ceil_i = ti + up.astype(jnp.int32)
            u = y - ceil_i.astype(jnp.float32)
            s = (ceil_i + np.int32(_n - _m)) & np.int32(_n - 1)
            accr = None
            acci = None
            for l in range(8):
                cl = _COEF[l]
                w = jnp.full((16,), np.float32(cl[_DEG]), jnp.float32)
                for k in range(_DEG - 1, -1, -1):
                    w = w * u + np.float32(cl[k])
                idx = s + np.int32(l)
                gr = plsc.load_gather(gre_v, [idx])
                gi = plsc.load_gather(gim_v, [idx])
                if accr is None:
                    accr, acci = w * gr, w * gi
                else:
                    accr = accr + w * gr
                    acci = acci + w * gi
            ore_v[pl.ds(base, 16)] = accr
            oim_v[pl.ds(base, 16)] = acci
            return carry

        lax.fori_loop(0, _CHUNK // 16, body, 0)

        out_pending[cur] = (
            pltpu.async_copy(ore_v, fre_hbm.at[batch, pl.ds(roff, _CHUNK)], sem_o[cur]),
            pltpu.async_copy(oim_v, fim_hbm.at[batch, pl.ds(roff, _CHUNK)], sem_o[cur]),
        )

    for pend in out_pending:
        if pend is not None:
            for d in pend:
                d.wait()


@functools.lru_cache(maxsize=1)
def _build_sc_conv():
    mesh = plsc.VectorSubcoreMesh(core_axis_name="c", subcore_axis_name="s",
                                  num_cores=2, num_subcores=16)
    return pl.kernel(
        _sc_body,
        out_type=(jax.ShapeDtypeStruct((_B, _M), jnp.float32),
                  jax.ShapeDtypeStruct((_B, _M), jnp.float32)),
        mesh=mesh,
        compiler_params=pltpu.CompilerParams(needs_layout_passes=False),
        scratch_types=[
            pltpu.VMEM((_NTAB,), jnp.float32),
            pltpu.VMEM((_NTAB,), jnp.float32),
            pltpu.VMEM((_CHUNK,), jnp.float32),
            pltpu.VMEM((_CHUNK,), jnp.float32),
            pltpu.VMEM((_CHUNK,), jnp.float32),
            pltpu.VMEM((_CHUNK,), jnp.float32),
            pltpu.VMEM((_CHUNK,), jnp.float32),
            pltpu.VMEM((_CHUNK,), jnp.float32),
            pltpu.SemaphoreType.DMA,
            pltpu.SemaphoreType.DMA,
            pltpu.SemaphoreType.DMA,
            pltpu.SemaphoreType.DMA,
            pltpu.SemaphoreType.DMA,
            pltpu.SemaphoreType.DMA,
        ],
    )


def _phi_hat():
    inds = jnp.arange(-_N // 2, _N // 2, dtype=jnp.float32)
    return jax.scipy.special.i0(_m * jnp.sqrt(_b ** 2 - (2.0 * jnp.pi * inds / _n) ** 2))


def kernel(x, f_hat):
    g_hat = f_hat / _phi_hat()
    zeros = jnp.zeros((x.shape[0], _n - _N), dtype=g_hat.dtype)
    h1 = jnp.concatenate((g_hat[:, _N // 2:], zeros, g_hat[:, : _N // 2]), axis=1)
    F = jnp.fft.fft(h1)
    gre = jnp.real(F).astype(jnp.float32)
    gim = jnp.imag(F).astype(jnp.float32)
    fre, fim = _build_sc_conv()(x, gre, gim)
    return lax.complex(fre, fim)

# --- scband reference (transcript-rebuilt; emitter-appended) ---
"""Pipeline reference for scband-nfft-54065048322177 (READ-ONLY COPY).

The authoritative reference and input builder live on the scoring server;
editing this copy changes nothing except your own understanding.
"""

import jax, jax.numpy as jnp
import numpy as np

N = 8192
m = 4
sigma = 2.0
n = int(sigma * N)  # 16384
B = 16
M = 65536
# KaiserBesselWindow is built with sigma = n / N = 2.0
b = (2.0 - 1.0 / (n / N)) * np.pi


def phi(k):
    arg = jnp.sqrt(m ** 2 - n ** 2 * k ** 2)
    out = jnp.sinh(b * arg) / (arg * jnp.pi)
    return jnp.nan_to_num(out, nan=0.0)


def phi_hat():
    inds = jnp.arange(-N // 2, N // 2, dtype=jnp.float32)
    return jax.scipy.special.i0(m * jnp.sqrt(b ** 2 - (2.0 * jnp.pi * inds / n) ** 2))


def setup_inputs(seed: int = 0) -> dict:
    key = jax.random.key(seed)
    k1, k2 = jax.random.split(key)
    # nonuniform sample points in [-1/2, 1/2)
    x = jax.random.uniform(k1, (B, M), dtype=jnp.float32, minval=-0.5, maxval=0.5)
    f_hat = jax.random.normal(k2, (B, N), dtype=jnp.float32)
    return {"x": x, "f_hat": f_hat}


def reference(x, f_hat):
    ph = phi_hat()
    g_hat = f_hat / ph
    cutpad = (n - N) // 2
    pad = jnp.zeros((x.shape[0], cutpad), dtype=g_hat.dtype)
    g_hat_full = jnp.fft.fftshift(jnp.concatenate((pad, g_hat, pad), axis=1), axes=-1)
    g = jnp.fft.ifftshift(jnp.fft.fft(g_hat_full), axes=-1)  # torch norm='backward' == jnp default
    # sparse_convolution
    l = jnp.arange(0, 2 * m, dtype=jnp.int32).reshape(2 * m, 1, 1)
    inds = (jnp.ceil(n * x).astype(jnp.int32) - m)[None, :, :] + l  # (2m, B, M)
    increments = phi(x[None, :, :] - inds.astype(jnp.float32) / n).astype(jnp.complex64)
    inds2 = (inds + n // 2) % n + n * jnp.arange(0, x.shape[0], dtype=jnp.int32)[:, None]
    g_l = jnp.take(g.reshape(-1), inds2.reshape(-1)).reshape(increments.shape)
    increments = increments * g_l
    f = jnp.sum(increments, axis=0)  # (B, M) complex64
    return f

if __name__ == "__main__":
    import jax
    _d = setup_inputs()
    print(jax.jit(kernel)(*tuple(_d.values())))

</pallas_src>

<mosaic_0001>
#map = affine_map<(d0, d1) -> (0, 0)>
module attributes {stable_mosaic.version = 14 : i64} {
  func.func @_sc_body(%arg0: i32, %arg1: i32, %arg2: memref<16x65536xf32, #tpu.memory_space<hbm>>, %arg3: memref<16x16384xf32, #tpu.memory_space<hbm>>, %arg4: memref<16x16384xf32, #tpu.memory_space<hbm>>, %arg5: memref<16x65536xf32, #tpu.memory_space<hbm>>, %arg6: memref<16x65536xf32, #tpu.memory_space<hbm>>, %arg7: memref<16400xf32, #tpu.memory_space<vmem>>, %arg8: memref<16400xf32, #tpu.memory_space<vmem>>, %arg9: memref<8192xf32, #tpu.memory_space<vmem>>, %arg10: memref<8192xf32, #tpu.memory_space<vmem>>, %arg11: memref<8192xf32, #tpu.memory_space<vmem>>, %arg12: memref<8192xf32, #tpu.memory_space<vmem>>, %arg13: memref<8192xf32, #tpu.memory_space<vmem>>, %arg14: memref<8192xf32, #tpu.memory_space<vmem>>, %arg15: memref<!tpu.dma_semaphore, #tpu.memory_space<semaphore_mem>>, %arg16: memref<!tpu.dma_semaphore, #tpu.memory_space<semaphore_mem>>, %arg17: memref<!tpu.dma_semaphore, #tpu.memory_space<semaphore_mem>>, %arg18: memref<!tpu.dma_semaphore, #tpu.memory_space<semaphore_mem>>, %arg19: memref<!tpu.dma_semaphore, #tpu.memory_space<semaphore_mem>>, %arg20: memref<!tpu.dma_semaphore, #tpu.memory_space<semaphore_mem>>) attributes {dimension_semantics = [#tpu.dimension_semantics<core_parallel>, #tpu.dimension_semantics<subcore_parallel>], iteration_bounds = array<i64: 2, 16>, scalar_prefetch = 0 : i64, scratch_operands = 14 : i64, tpu.core_type = #tpu.core_type<sc_vector_subcore>, window_params = [{transform_indices = #map}, {transform_indices = #map}, {transform_indices = #map}, {transform_indices = #map}, {transform_indices = #map}]} {
    %mul3A = arith.constant 2 : i32
    %mul3A_0 = arith.muli %arg1, %mul3A : i32
    %add3A = arith.addi %mul3A_0, %arg0 : i32
    %jit3A = arith.constant 2 : i32
    %div3A = arith.divsi %add3A, %jit3A : i32
    %sign3A = arith.constant 0 : i32
    %sign3A_1 = arith.cmpi sgt, %add3A, %sign3A : i32
    %sign3A_2 = arith.extui %sign3A_1 : i1 to i32
    %sign3A_3 = arith.constant 0 : i32
    %sign3A_4 = arith.cmpi slt, %add3A, %sign3A_3 : i32
    %sign3A_5 = arith.extui %sign3A_4 : i1 to i32
    %sign3A_6 = arith.subi %sign3A_2, %sign3A_5 : i32
    %sign3A_7 = arith.constant 0 : i32
    %sign3A_8 = arith.cmpi sgt, %jit3A, %sign3A_7 : i32
    %sign3A_9 = arith.extui %sign3A_8 : i1 to i32
    %sign3A_10 = arith.constant 0 : i32
    %sign3A_11 = arith.cmpi slt, %jit3A, %sign3A_10 : i32
    %sign3A_12 = arith.extui %sign3A_11 : i1 to i32
    %sign3A_13 = arith.subi %sign3A_9, %sign3A_12 : i32
    %ne3A = arith.cmpi ne, %sign3A_6, %sign3A_13 : i32
    %rem3A = arith.remsi %add3A, %jit3A : i32
    %ne3A_14 = arith.constant 0 : i32
    %ne3A_15 = arith.cmpi ne, %rem3A, %ne3A_14 : i32
    %and3A = arith.andi %ne3A, %ne3A_15 : i1
    %sub3A = arith.constant 1 : i32
    %sub3A_16 = arith.subi %div3A, %sub3A : i32
    %select_n3A = arith.select %and3A, %sub3A_16, %div3A : i32
    %jit3A_17 = arith.constant 2 : i32
    %eq3A = arith.constant 0 : i32
    %eq3A_18 = arith.cmpi eq, %jit3A_17, %eq3A : i32
    %jit3A_19 = arith.constant 1 : i32
    %select_n3A_20 = arith.select %eq3A_18, %jit3A_19, %jit3A_17 : i32
    %rem3A_21 = arith.remsi %add3A, %select_n3A_20 : i32
    %ne3A_22 = arith.constant 0 : i32
    %ne3A_23 = arith.cmpi ne, %rem3A_21, %ne3A_22 : i32
    %lt3A = arith.constant 0 : i32
    %lt3A_24 = arith.cmpi slt, %rem3A_21, %lt3A : i32
    %lt3A_25 = arith.constant 0 : i32
    %lt3A_26 = arith.cmpi slt, %select_n3A_20, %lt3A_25 : i32
    %ne3A_27 = arith.xori %lt3A_24, %lt3A_26 : i1
    %and3A_28 = arith.andi %ne3A_27, %ne3A_23 : i1
    %add3A_29 = arith.addi %rem3A_21, %select_n3A_20 : i32
    %select_n3A_30 = arith.select %and3A_28, %add3A_29, %rem3A_21 : i32
    %dma_start3A = arith.constant 0 : i32
    %dma_start3A_31 = tpu.memref_slice %arg7[%dma_start3A] : memref<16400xf32, #tpu.memory_space<vmem>> -> memref<16384xf32, #tpu.memory_space<vmem>>
    %dma_start3A_32 = arith.constant 0 : i32
    %dma_start3A_33 = tpu.memref_slice %arg3[%select_n3A, %dma_start3A_32] : memref<16x16384xf32, #tpu.memory_space<hbm>> -> memref<1x16384xf32, #tpu.memory_space<hbm>>
    %dma_start3A_34 = tpu.memref_squeeze %dma_start3A_33 : memref<1x16384xf32, #tpu.memory_space<hbm>> -> memref<16384xf32, #tpu.memory_space<hbm>>
    %dma_start3A_35 = arith.constant 0 : i32
    %dma_start3A_36 = tpu.memref_slice %arg7[%dma_start3A_35] : memref<16400xf32, #tpu.memory_space<vmem>> -> memref<16384xf32, #tpu.memory_space<vmem>>
    %dma_start3A_37 = arith.constant 0 : i32
    %dma_start3A_38 = tpu.memref_slice %arg3[%select_n3A, %dma_start3A_37] : memref<16x16384xf32, #tpu.memory_space<hbm>> -> memref<1x16384xf32, #tpu.memory_space<hbm>>
    %dma_start3A_39 = tpu.memref_squeeze %dma_start3A_38 : memref<1x16384xf32, #tpu.memory_space<hbm>> -> memref<16384xf32, #tpu.memory_space<hbm>>
    tpu.enqueue_dma source(%dma_start3A_39 : memref<16384xf32, #tpu.memory_space<hbm>>) target(%dma_start3A_36 : memref<16384xf32, #tpu.memory_space<vmem>>) target_semaphore(%arg15 : memref<!tpu.dma_semaphore, #tpu.memory_space<semaphore_mem>>)
    %dma_start3A_40 = arith.constant 0 : i32
    %dma_start3A_41 = tpu.memref_slice %arg8[%dma_start3A_40] : memref<16400xf32, #tpu.memory_space<vmem>> -> memref<16384xf32, #tpu.memory_space<vmem>>
    %dma_start3A_42 = arith.constant 0 : i32
    %dma_start3A_43 = tpu.memref_slice %arg4[%select_n3A, %dma_start3A_42] : memref<16x16384xf32, #tpu.memory_space<hbm>> -> memref<1x16384xf32, #tpu.memory_space<hbm>>
    %dma_start3A_44 = tpu.memref_squeeze %dma_start3A_43 : memref<1x16384xf32, #tpu.memory_space<hbm>> -> memref<16384xf32, #tpu.memory_space<hbm>>
    %dma_start3A_45 = arith.constant 0 : i32
    %dma_start3A_46 = tpu.memref_slice %arg8[%dma_start3A_45] : memref<16400xf32, #tpu.memory_space<vmem>> -> memref<16384xf32, #tpu.memory_space<vmem>>
    %dma_start3A_47 = arith.constant 0 : i32
    %dma_start3A_48 = tpu.memref_slice %arg4[%select_n3A, %dma_start3A_47] : memref<16x16384xf32, #tpu.memory_space<hbm>> -> memref<1x16384xf32, #tpu.memory_space<hbm>>
    %dma_start3A_49 = tpu.memref_squeeze %dma_start3A_48 : memref<1x16384xf32, #tpu.memory_space<hbm>> -> memref<16384xf32, #tpu.memory_space<hbm>>
    tpu.enqueue_dma source(%dma_start3A_49 : memref<16384xf32, #tpu.memory_space<hbm>>) target(%dma_start3A_46 : memref<16384xf32, #tpu.memory_space<vmem>>) target_semaphore(%arg16 : memref<!tpu.dma_semaphore, #tpu.memory_space<semaphore_mem>>)
    %dma_start3A_50 = arith.constant 16384 : i32
    %dma_start3A_51 = tpu.memref_slice %arg7[%dma_start3A_50] : memref<16400xf32, #tpu.memory_space<vmem>> -> memref<16xf32, #tpu.memory_space<vmem>>
    %dma_start3A_52 = arith.constant 0 : i32
    %dma_start3A_53 = tpu.memref_slice %arg3[%select_n3A, %dma_start3A_52] : memref<16x16384xf32, #tpu.memory_space<hbm>> -> memref<1x16xf32, #tpu.memory_space<hbm>>
    %dma_start3A_54 = tpu.memref_squeeze %dma_start3A_53 : memref<1x16xf32, #tpu.memory_space<hbm>> -> memref<16xf32, #tpu.memory_space<hbm>>
    %dma_start3A_55 = arith.constant 16384 : i32
    %dma_start3A_56 = tpu.memref_slice %arg7[%dma_start3A_55] : memref<16400xf32, #tpu.memory_space<vmem>> -> memref<16xf32, #tpu.memory_space<vmem>>
    %dma_start3A_57 = arith.constant 0 : i32
    %dma_start3A_58 = tpu.memref_slice %arg3[%select_n3A, %dma_start3A_57] : memref<16x16384xf32, #tpu.memory_space<hbm>> -> memref<1x16xf32, #tpu.memory_space<hbm>>
    %dma_start3A_59 = tpu.memref_squeeze %dma_start3A_58 : memref<1x16xf32, #tpu.memory_space<hbm>> -> memref<16xf32, #tpu.memory_space<hbm>>
    tpu.enqueue_dma source(%dma_start3A_59 : memref<16xf32, #tpu.memory_space<hbm>>) target(%dma_start3A_56 : memref<16xf32, #tpu.memory_space<vmem>>) target_semaphore(%arg15 : memref<!tpu.dma_semaphore, #tpu.memory_space<semaphore_mem>>)
    %dma_start3A_60 = arith.constant 16384 : i32
    %dma_start3A_61 = tpu.memref_slice %arg8[%dma_start3A_60] : memref<16400xf32, #tpu.memory_space<vmem>> -> memref<16xf32, #tpu.memory_space<vmem>>
    %dma_start3A_62 = arith.constant 0 : i32
    %dma_start3A_63 = tpu.memref_slice %arg4[%select_n3A, %dma_start3A_62] : memref<16x16384xf32, #tpu.memory_space<hbm>> -> memref<1x16xf32, #tpu.memory_space<hbm>>
    %dma_start3A_64 = tpu.memref_squeeze %dma_start3A_63 : memref<1x16xf32, #tpu.memory_space<hbm>> -> memref<16xf32, #tpu.memory_space<hbm>>
    %dma_start3A_65 = arith.constant 16384 : i32
    %dma_start3A_66 = tpu.memref_slice %arg8[%dma_start3A_65] : memref<16400xf32, #tpu.memory_space<vmem>> -> memref<16xf32, #tpu.memory_space<vmem>>
    %dma_start3A_67 = arith.constant 0 : i32
    %dma_start3A_68 = tpu.memref_slice %arg4[%select_n3A, %dma_start3A_67] : memref<16x16384xf32, #tpu.memory_space<hbm>> -> memref<1x16xf32, #tpu.memory_space<hbm>>
    %dma_start3A_69 = tpu.memref_squeeze %dma_start3A_68 : memref<1x16xf32, #tpu.memory_space<hbm>> -> memref<16xf32, #tpu.memory_space<hbm>>
    tpu.enqueue_dma source(%dma_start3A_69 : memref<16xf32, #tpu.memory_space<hbm>>) target(%dma_start3A_66 : memref<16xf32, #tpu.memory_space<vmem>>) target_semaphore(%arg16 : memref<!tpu.dma_semaphore, #tpu.memory_space<semaphore_mem>>)
    %mul3A_70 = arith.constant 32768 : i32
    %mul3A_71 = arith.muli %select_n3A_30, %mul3A_70 : i32
    %add3A_72 = arith.constant 0 : i32
    %add3A_73 = arith.addi %mul3A_71, %add3A_72 : i32
    %dma_start3A_74 = tpu.memref_slice %arg2[%select_n3A, %add3A_73] : memref<16x65536xf32, #tpu.memory_space<hbm>> -> memref<1x8192xf32, #tpu.memory_space<hbm>>
    %dma_start3A_75 = tpu.memref_squeeze %dma_start3A_74 : memref<1x8192xf32, #tpu.memory_space<hbm>> -> memref<8192xf32, #tpu.memory_space<hbm>>
    %dma_start3A_76 = tpu.memref_slice %arg2[%select_n3A, %add3A_73] : memref<16x65536xf32, #tpu.memory_space<hbm>> -> memref<1x8192xf32, #tpu.memory_space<hbm>>
    %dma_start3A_77 = tpu.memref_squeeze %dma_start3A_76 : memref<1x8192xf32, #tpu.memory_space<hbm>> -> memref<8192xf32, #tpu.memory_space<hbm>>
    tpu.enqueue_dma source(%dma_start3A_77 : memref<8192xf32, #tpu.memory_space<hbm>>) target(%arg9 : memref<8192xf32, #tpu.memory_space<vmem>>) target_semaphore(%arg17 : memref<!tpu.dma_semaphore, #tpu.memory_space<semaphore_mem>>)
    %dma_wait3A = arith.constant 0 : i32
    %dma_wait3A_78 = tpu.memref_slice %arg7[%dma_wait3A] : memref<16400xf32, #tpu.memory_space<vmem>> -> memref<16384xf32, #tpu.memory_space<vmem>>
    %dma_wait3A_79 = arith.constant 0 : i32
    %dma_wait3A_80 = tpu.memref_slice %arg3[%select_n3A, %dma_wait3A_79] : memref<16x16384xf32, #tpu.memory_space<hbm>> -> memref<1x16384xf32, #tpu.memory_space<hbm>>
    %dma_wait3A_81 = tpu.memref_squeeze %dma_wait3A_80 : memref<1x16384xf32, #tpu.memory_space<hbm>> -> memref<16384xf32, #tpu.memory_space<hbm>>
    %dma_wait3A_82 = arith.constant 0 : i32
    %dma_wait3A_83 = tpu.memref_slice %arg7[%dma_wait3A_82] : memref<16400xf32, #tpu.memory_space<vmem>> -> memref<16384xf32, #tpu.memory_space<vmem>>
    %dma_wait3A_84 = arith.constant 0 : i32
    %dma_wait3A_85 = tpu.memref_slice %arg3[%select_n3A, %dma_wait3A_84] : memref<16x16384xf32, #tpu.memory_space<hbm>> -> memref<1x16384xf32, #tpu.memory_space<hbm>>
    %dma_wait3A_86 = tpu.memref_squeeze %dma_wait3A_85 : memref<1x16384xf32, #tpu.memory_space<hbm>> -> memref<16384xf32, #tpu.memory_space<hbm>>
    tpu.wait_dma2 semaphore(%arg15 : memref<!tpu.dma_semaphore, #tpu.memory_space<semaphore_mem>>) src(%dma_wait3A_86 : memref<16384xf32, #tpu.memory_space<hbm>>) dst(%dma_wait3A_83 : memref<16384xf32, #tpu.memory_space<vmem>>)
    %dma_wait3A_87 = arith.constant 0 : i32
    %dma_wait3A_88 = tpu.memref_slice %arg8[%dma_wait3A_87] : memref<16400xf32, #tpu.memory_space<vmem>> -> memref<16384xf32, #tpu.memory_space<vmem>>
    %dma_wait3A_89 = arith.constant 0 : i32
    %dma_wait3A_90 = tpu.memref_slice %arg4[%select_n3A, %dma_wait3A_89] : memref<16x16384xf32, #tpu.memory_space<hbm>> -> memref<1x16384xf32, #tpu.memory_space<hbm>>
    %dma_wait3A_91 = tpu.memref_squeeze %dma_wait3A_90 : memref<1x16384xf32, #tpu.memory_space<hbm>> -> memref<16384xf32, #tpu.memory_space<hbm>>
    %dma_wait3A_92 = arith.constant 0 : i32
    %dma_wait3A_93 = tpu.memref_slice %arg8[%dma_wait3A_92] : memref<16400xf32, #tpu.memory_space<vmem>> -> memref<16384xf32, #tpu.memory_space<vmem>>
    %dma_wait3A_94 = arith.constant 0 : i32
    %dma_wait3A_95 = tpu.memref_slice %arg4[%select_n3A, %dma_wait3A_94] : memref<16x16384xf32, #tpu.memory_space<hbm>> -> memref<1x16384xf32, #tpu.memory_space<hbm>>
    %dma_wait3A_96 = tpu.memref_squeeze %dma_wait3A_95 : memref<1x16384xf32, #tpu.memory_space<hbm>> -> memref<16384xf32, #tpu.memory_space<hbm>>
    tpu.wait_dma2 semaphore(%arg16 : memref<!tpu.dma_semaphore, #tpu.memory_space<semaphore_mem>>) src(%dma_wait3A_96 : memref<16384xf32, #tpu.memory_space<hbm>>) dst(%dma_wait3A_93 : memref<16384xf32, #tpu.memory_space<vmem>>)
    %dma_wait3A_97 = arith.constant 16384 : i32
    %dma_wait3A_98 = tpu.memref_slice %arg7[%dma_wait3A_97] : memref<16400xf32, #tpu.memory_space<vmem>> -> memref<16xf32, #tpu.memory_space<vmem>>
    %dma_wait3A_99 = arith.constant 0 : i32
    %dma_wait3A_100 = tpu.memref_slice %arg3[%select_n3A, %dma_wait3A_99] : memref<16x16384xf32, #tpu.memory_space<hbm>> -> memref<1x16xf32, #tpu.memory_space<hbm>>
    %dma_wait3A_101 = tpu.memref_squeeze %dma_wait3A_100 : memref<1x16xf32, #tpu.memory_space<hbm>> -> memref<16xf32, #tpu.memory_space<hbm>>
    %dma_wait3A_102 = arith.constant 16384 : i32
    %dma_wait3A_103 = tpu.memref_slice %arg7[%dma_wait3A_102] : memref<16400xf32, #tpu.memory_space<vmem>> -> memref<16xf32, #tpu.memory_space<vmem>>
    %dma_wait3A_104 = arith.constant 0 : i32
    %dma_wait3A_105 = tpu.memref_slice %arg3[%select_n3A, %dma_wait3A_104] : memref<16x16384xf32, #tpu.memory_space<hbm>> -> memref<1x16xf32, #tpu.memory_space<hbm>>
    %dma_wait3A_106 = tpu.memref_squeeze %dma_wait3A_105 : memref<1x16xf32, #tpu.memory_space<hbm>> -> memref<16xf32, #tpu.memory_space<hbm>>
    tpu.wait_dma2 semaphore(%arg15 : memref<!tpu.dma_semaphore, #tpu.memory_space<semaphore_mem>>) src(%dma_wait3A_106 : memref<16xf32, #tpu.memory_space<hbm>>) dst(%dma_wait3A_103 : memref<16xf32, #tpu.memory_space<vmem>>)
    %dma_wait3A_107 = arith.constant 16384 : i32
    %dma_wait3A_108 = tpu.memref_slice %arg8[%dma_wait3A_107] : memref<16400xf32, #tpu.memory_space<vmem>> -> memref<16xf32, #tpu.memory_space<vmem>>
    %dma_wait3A_109 = arith.constant 0 : i32
    %dma_wait3A_110 = tpu.memref_slice %arg4[%select_n3A, %dma_wait3A_109] : memref<16x16384xf32, #tpu.memory_space<hbm>> -> memref<1x16xf32, #tpu.memory_space<hbm>>
    %dma_wait3A_111 = tpu.memref_squeeze %dma_wait3A_110 : memref<1x16xf32, #tpu.memory_space<hbm>> -> memref<16xf32, #tpu.memory_space<hbm>>
    %dma_wait3A_112 = arith.constant 16384 : i32
    %dma_wait3A_113 = tpu.memref_slice %arg8[%dma_wait3A_112] : memref<16400xf32, #tpu.memory_space<vmem>> -> memref<16xf32, #tpu.memory_space<vmem>>
    %dma_wait3A_114 = arith.constant 0 : i32
    %dma_wait3A_115 = tpu.memref_slice %arg4[%select_n3A, %dma_wait3A_114] : memref<16x16384xf32, #tpu.memory_space<hbm>> -> memref<1x16xf32, #tpu.memory_space<hbm>>
    %dma_wait3A_116 = tpu.memref_squeeze %dma_wait3A_115 : memref<1x16xf32, #tpu.memory_space<hbm>> -> memref<16xf32, #tpu.memory_space<hbm>>
    tpu.wait_dma2 semaphore(%arg16 : memref<!tpu.dma_semaphore, #tpu.memory_space<semaphore_mem>>) src(%dma_wait3A_116 : memref<16xf32, #tpu.memory_space<hbm>>) dst(%dma_wait3A_113 : memref<16xf32, #tpu.memory_space<vmem>>)
    %mul3A_117 = arith.constant 32768 : i32
    %mul3A_118 = arith.muli %select_n3A_30, %mul3A_117 : i32
    %add3A_119 = arith.constant 0 : i32
    %add3A_120 = arith.addi %mul3A_118, %add3A_119 : i32
    %dma_wait3A_121 = tpu.memref_slice %arg2[%select_n3A, %add3A_73] : memref<16x65536xf32, #tpu.memory_space<hbm>> -> memref<1x8192xf32, #tpu.memory_space<hbm>>
    %dma_wait3A_122 = tpu.memref_squeeze %dma_wait3A_121 : memref<1x8192xf32, #tpu.memory_space<hbm>> -> memref<8192xf32, #tpu.memory_space<hbm>>
    %dma_wait3A_123 = tpu.memref_slice %arg2[%select_n3A, %add3A_73] : memref<16x65536xf32, #tpu.memory_space<hbm>> -> memref<1x8192xf32, #tpu.memory_space<hbm>>
    %dma_wait3A_124 = tpu.memref_squeeze %dma_wait3A_123 : memref<1x8192xf32, #tpu.memory_space<hbm>> -> memref<8192xf32, #tpu.memory_space<hbm>>
    tpu.wait_dma2 semaphore(%arg17 : memref<!tpu.dma_semaphore, #tpu.memory_space<semaphore_mem>>) src(%dma_wait3A_124 : memref<8192xf32, #tpu.memory_space<hbm>>) dst(%arg9 : memref<8192xf32, #tpu.memory_space<vmem>>)
    %mul3A_125 = arith.constant 32768 : i32
    %mul3A_126 = arith.muli %select_n3A_30, %mul3A_125 : i32
    %add3A_127 = arith.constant 8192 : i32
    %add3A_128 = arith.addi %mul3A_126, %add3A_127 : i32
    %dma_start3A_129 = tpu.memref_slice %arg2[%select_n3A, %add3A_128] : memref<16x65536xf32, #tpu.memory_space<hbm>> -> memref<1x8192xf32, #tpu.memory_space<hbm>>
    %dma_start3A_130 = tpu.memref_squeeze %dma_start3A_129 : memref<1x8192xf32, #tpu.memory_space<hbm>> -> memref<8192xf32, #tpu.memory_space<hbm>>
    %dma_start3A_131 = tpu.memref_slice %arg2[%select_n3A, %add3A_128] : memref<16x65536xf32, #tpu.memory_space<hbm>> -> memref<1x8192xf32, #tpu.memory_space<hbm>>
    %dma_start3A_132 = tpu.memref_squeeze %dma_start3A_131 : memref<1x8192xf32, #tpu.memory_space<hbm>> -> memref<8192xf32, #tpu.memory_space<hbm>>
    tpu.enqueue_dma source(%dma_start3A_132 : memref<8192xf32, #tpu.memory_space<hbm>>) target(%arg10 : memref<8192xf32, #tpu.memory_space<vmem>>) target_semaphore(%arg18 : memref<!tpu.dma_semaphore, #tpu.memory_space<semaphore_mem>>)
    %scan3A = arith.constant 0 : i32
    %scan3A_133 = arith.constant 0 : i32
    %scan3A_134 = arith.constant 512 : i32
    %scan3A_135 = arith.addi %scan3A_133, %scan3A_134 : i32
    %scan3A_136 = arith.constant 1 : i32
    scf.for %scan3A_260 = %scan3A_133 to %scan3A_135 step %scan3A_136  : i32 {
      %mul3A_261 = arith.constant 16 : i32
      %mul3A_262 = arith.muli %scan3A_260, %mul3A_261 : i32
      %get3A = arith.index_cast %mul3A_262 : i32 to index
      %get3A_263 = tpu.vector_load %arg9[%get3A] {strides = array<i32>} : memref<8192xf32, #tpu.memory_space<vmem>>, vector<16xf32>,
      %mul3A_264 = arith.constant 1.638400e+04 : f32
      %mul3A_265 = vector.broadcast %mul3A_264 : f32 to vector<16xf32>
      %mul3A_266 = arith.mulf %get3A_263, %mul3A_265 : vector<16xf32>
      %convert_element_type3A = arith.fptosi %mul3A_266 : vector<16xf32> to vector<16xi32>
      %convert_element_type3A_267 = arith.sitofp %convert_element_type3A : vector<16xi32> to vector<16xf32>
      %gt3A = arith.cmpf ogt, %mul3A_266, %convert_element_type3A_267 : vector<16xf32>
      %convert_element_type3A_268 = arith.extui %gt3A : vector<16xi1> to vector<16xi32>
      %add3A_269 = arith.addi %convert_element_type3A, %convert_element_type3A_268 : vector<16xi32>
      %convert_element_type3A_270 = arith.sitofp %add3A_269 : vector<16xi32> to vector<16xf32>
      %sub3A_271 = arith.subf %mul3A_266, %convert_element_type3A_270 : vector<16xf32>
      %add3A_272 = arith.constant 16380 : i32
      %add3A_273 = vector.broadcast %add3A_272 : i32 to vector<16xi32>
      %add3A_274 = arith.addi %add3A_269, %add3A_273 : vector<16xi32>
      %and3A_275 = arith.constant 16383 : i32
      %and3A_276 = vector.broadcast %and3A_275 : i32 to vector<16xi32>
      %and3A_277 = arith.andi %add3A_274, %and3A_276 : vector<16xi32>
      %broadcast_in_dim3A = arith.constant 39454.5938 : f32
      %broadcast_in_dim3A_278 = vector.broadcast %broadcast_in_dim3A : f32 to vector<16xf32>
      %mul3A_279 = arith.mulf %broadcast_in_dim3A_278, %sub3A_271 : vector<16xf32>
      %add3A_280 = arith.constant 38620.5781 : f32
      %add3A_281 = vector.broadcast %add3A_280 : f32 to vector<16xf32>
      %add3A_282 = arith.addf %mul3A_279, %add3A_281 : vector<16xf32>
      %mul3A_283 = arith.mulf %add3A_282, %sub3A_271 : vector<16xf32>
      %add3A_284 = arith.constant 17088.2676 : f32
      %add3A_285 = vector.broadcast %add3A_284 : f32 to vector<16xf32>
      %add3A_286 = arith.addf %mul3A_283, %add3A_285 : vector<16xf32>
      %mul3A_287 = arith.mulf %add3A_286, %sub3A_271 : vector<16xf32>
      %add3A_288 = arith.constant 2483.5769 : f32
      %add3A_289 = vector.broadcast %add3A_288 : f32 to vector<16xf32>
      %add3A_290 = arith.addf %mul3A_287, %add3A_289 : vector<16xf32>
      %mul3A_291 = arith.mulf %add3A_290, %sub3A_271 : vector<16xf32>
      %add3A_292 = arith.constant 88.899437 : f32
      %add3A_293 = vector.broadcast %add3A_292 : f32 to vector<16xf32>
      %add3A_294 = arith.addf %mul3A_291, %add3A_293 : vector<16xf32>
      %add3A_295 = arith.constant 0 : i32
      %add3A_296 = vector.broadcast %add3A_295 : i32 to vector<16xi32>
      %add3A_297 = arith.addi %and3A_277, %add3A_296 : vector<16xi32>
      %gather3A = tpu.vector_load_idx %arg7[%add3A_297] : memref<16400xf32, #tpu.memory_space<vmem>>[vector<16xi32>], vector<16xf32>,
      %gather3A_298 = tpu.vector_load_idx %arg8[%add3A_297] : memref<16400xf32, #tpu.memory_space<vmem>>[vector<16xi32>], vector<16xf32>,
      %mul3A_299 = arith.mulf %add3A_294, %gather3A : vector<16xf32>
      %mul3A_300 = arith.mulf %add3A_294, %gather3A_298 : vector<16xf32>
      %broadcast_in_dim3A_301 = arith.constant 98740.2265 : f32
      %broadcast_in_dim3A_302 = vector.broadcast %broadcast_in_dim3A_301 : f32 to vector<16xf32>
      %mul3A_303 = arith.mulf %broadcast_in_dim3A_302, %sub3A_271 : vector<16xf32>
      %add3A_304 = arith.constant -235411.938 : f32
      %add3A_305 = vector.broadcast %add3A_304 : f32 to vector<16xf32>
      %add3A_306 = arith.addf %mul3A_303, %add3A_305 : vector<16xf32>
      %mul3A_307 = arith.mulf %add3A_306, %sub3A_271 : vector<16xf32>
      %add3A_308 = arith.constant 133845.719 : f32
      %add3A_309 = vector.broadcast %add3A_308 : f32 to vector<16xf32>
      %add3A_310 = arith.addf %mul3A_307, %add3A_309 : vector<16xf32>
      %mul3A_311 = arith.mulf %add3A_310, %sub3A_271 : vector<16xf32>
      %add3A_312 = arith.constant -81392.5234 : f32
      %add3A_313 = vector.broadcast %add3A_312 : f32 to vector<16xf32>
      %add3A_314 = arith.addf %mul3A_311, %add3A_313 : vector<16xf32>
      %mul3A_315 = arith.mulf %add3A_314, %sub3A_271 : vector<16xf32>
      %add3A_316 = arith.constant 15461.9229 : f32
      %add3A_317 = vector.broadcast %add3A_316 : f32 to vector<16xf32>
      %add3A_318 = arith.addf %mul3A_315, %add3A_317 : vector<16xf32>
      %add3A_319 = arith.constant 1 : i32
      %add3A_320 = vector.broadcast %add3A_319 : i32 to vector<16xi32>
      %add3A_321 = arith.addi %and3A_277, %add3A_320 : vector<16xi32>
      %gather3A_322 = tpu.vector_load_idx %arg7[%add3A_321] : memref<16400xf32, #tpu.memory_space<vmem>>[vector<16xi32>], vector<16xf32>,
      %gather3A_323 = tpu.vector_load_idx %arg8[%add3A_321] : memref<16400xf32, #tpu.memory_space<vmem>>[vector<16xi32>], vector<16xf32>,
      %mul3A_324 = arith.mulf %add3A_318, %gather3A_322 : vector<16xf32>
      %add3A_325 = arith.addf %mul3A_299, %mul3A_324 : vector<16xf32>
      %mul3A_326 = arith.mulf %add3A_318, %gather3A_323 : vector<16xf32>
      %add3A_327 = arith.addf %mul3A_300, %mul3A_326 : vector<16xf32>
      %broadcast_in_dim3A_328 = arith.constant -533028.438 : f32
      %broadcast_in_dim3A_329 = vector.broadcast %broadcast_in_dim3A_328 : f32 to vector<16xf32>
      %mul3A_330 = arith.mulf %broadcast_in_dim3A_329, %sub3A_271 : vector<16xf32>
      %add3A_331 = arith.constant -705232.25 : f32
      %add3A_332 = vector.broadcast %add3A_331 : f32 to vector<16xf32>
      %add3A_333 = arith.addf %mul3A_330, %add3A_332 : vector<16xf32>
      %mul3A_334 = arith.mulf %add3A_333, %sub3A_271 : vector<16xf32>
      %add3A_335 = arith.constant 1277971.38 : f32
      %add3A_336 = vector.broadcast %add3A_335 : f32 to vector<16xf32>
      %add3A_337 = arith.addf %mul3A_334, %add3A_336 : vector<16xf32>
      %mul3A_338 = arith.mulf %add3A_337, %sub3A_271 : vector<16xf32>
      %add3A_339 = arith.constant -1453845.5 : f32
      %add3A_340 = vector.broadcast %add3A_339 : f32 to vector<16xf32>
      %add3A_341 = arith.addf %mul3A_338, %add3A_340 : vector<16xf32>
      %mul3A_342 = arith.mulf %add3A_341, %sub3A_271 : vector<16xf32>
      %add3A_343 = arith.constant 5.642270e+05 : f32
      %add3A_344 = vector.broadcast %add3A_343 : f32 to vector<16xf32>
      %add3A_345 = arith.addf %mul3A_342, %add3A_344 : vector<16xf32>
      %add3A_346 = arith.constant 2 : i32
      %add3A_347 = vector.broadcast %add3A_346 : i32 to vector<16xi32>
      %add3A_348 = arith.addi %and3A_277, %add3A_347 : vector<16xi32>
      %gather3A_349 = tpu.vector_load_idx %arg7[%add3A_348] : memref<16400xf32, #tpu.memory_space<vmem>>[vector<16xi32>], vector<16xf32>,
      %gather3A_350 = tpu.vector_load_idx %arg8[%add3A_348] : memref<16400xf32, #tpu.memory_space<vmem>>[vector<16xi32>], vector<16xf32>,
      %mul3A_351 = arith.mulf %add3A_345, %gather3A_349 : vector<16xf32>
      %add3A_352 = arith.addf %add3A_325, %mul3A_351 : vector<16xf32>
      %mul3A_353 = arith.mulf %add3A_345, %gather3A_350 : vector<16xf32>
      %add3A_354 = arith.addf %add3A_327, %mul3A_353 : vector<16xf32>
      %broadcast_in_dim3A_355 = arith.constant 394819.938 : f32
      %broadcast_in_dim3A_356 = vector.broadcast %broadcast_in_dim3A_355 : f32 to vector<16xf32>
      %mul3A_357 = arith.mulf %broadcast_in_dim3A_356, %sub3A_271 : vector<16xf32>
      %add3A_358 = arith.constant 0x4A037304 : f32
      %add3A_359 = vector.broadcast %add3A_358 : f32 to vector<16xf32>
      %add3A_360 = arith.addf %mul3A_357, %add3A_359 : vector<16xf32>
      %mul3A_361 = arith.mulf %add3A_360, %sub3A_271 : vector<16xf32>
      %add3A_362 = arith.constant 448577.969 : f32
      %add3A_363 = vector.broadcast %add3A_362 : f32 to vector<16xf32>
      %add3A_364 = arith.addf %mul3A_361, %add3A_363 : vector<16xf32>
      %mul3A_365 = arith.mulf %add3A_364, %sub3A_271 : vector<16xf32>
      %add3A_366 = arith.constant -3949402.5 : f32
      %add3A_367 = vector.broadcast %add3A_366 : f32 to vector<16xf32>
      %add3A_368 = arith.addf %mul3A_365, %add3A_367 : vector<16xf32>
      %mul3A_369 = arith.mulf %add3A_368, %sub3A_271 : vector<16xf32>
      %add3A_370 = arith.constant 3469340.75 : f32
      %add3A_371 = vector.broadcast %add3A_370 : f32 to vector<16xf32>
      %add3A_372 = arith.addf %mul3A_369, %add3A_371 : vector<16xf32>
      %add3A_373 = arith.constant 3 : i32
      %add3A_374 = vector.broadcast %add3A_373 : i32 to vector<16xi32>
      %add3A_375 = arith.addi %and3A_277, %add3A_374 : vector<16xi32>
      %gather3A_376 = tpu.vector_load_idx %arg7[%add3A_375] : memref<16400xf32, #tpu.memory_space<vmem>>[vector<16xi32>], vector<16xf32>,
      %gather3A_377 = tpu.vector_load_idx %arg8[%add3A_375] : memref<16400xf32, #tpu.memory_space<vmem>>[vector<16xi32>], vector<16xf32>,
      %mul3A_378 = arith.mulf %add3A_372, %gather3A_376 : vector<16xf32>
      %add3A_379 = arith.addf %add3A_352, %mul3A_378 : vector<16xf32>
      %mul3A_380 = arith.mulf %add3A_372, %gather3A_377 : vector<16xf32>
      %add3A_381 = arith.addf %add3A_354, %mul3A_380 : vector<16xf32>
      %broadcast_in_dim3A_382 = arith.constant 394819.938 : f32
      %broadcast_in_dim3A_383 = vector.broadcast %broadcast_in_dim3A_382 : f32 to vector<16xf32>
      %mul3A_384 = arith.mulf %broadcast_in_dim3A_383, %sub3A_271 : vector<16xf32>
      %add3A_385 = arith.constant -574385.375 : f32
      %add3A_386 = vector.broadcast %add3A_385 : f32 to vector<16xf32>
      %add3A_387 = arith.addf %mul3A_384, %add3A_386 : vector<16xf32>
      %mul3A_388 = arith.mulf %add3A_387, %sub3A_271 : vector<16xf32>
      %add3A_389 = arith.constant -3643497.75 : f32
      %add3A_390 = vector.broadcast %add3A_389 : f32 to vector<16xf32>
      %add3A_391 = arith.addf %mul3A_388, %add3A_390 : vector<16xf32>
      %mul3A_392 = arith.mulf %add3A_391, %sub3A_271 : vector<16xf32>
      %add3A_393 = arith.constant -35157.1211 : f32
      %add3A_394 = vector.broadcast %add3A_393 : f32 to vector<16xf32>
      %add3A_395 = arith.addf %mul3A_392, %add3A_394 : vector<16xf32>
      %mul3A_396 = arith.mulf %add3A_395, %sub3A_271 : vector<16xf32>
      %add3A_397 = arith.constant 0x4ABA6A78 : f32
      %add3A_398 = vector.broadcast %add3A_397 : f32 to vector<16xf32>
      %add3A_399 = arith.addf %mul3A_396, %add3A_398 : vector<16xf32>
      %add3A_400 = arith.constant 4 : i32
      %add3A_401 = vector.broadcast %add3A_400 : i32 to vector<16xi32>
      %add3A_402 = arith.addi %and3A_277, %add3A_401 : vector<16xi32>
      %gather3A_403 = tpu.vector_load_idx %arg7[%add3A_402] : memref<16400xf32, #tpu.memory_space<vmem>>[vector<16xi32>], vector<16xf32>,
      %gather3A_404 = tpu.vector_load_idx %arg8[%add3A_402] : memref<16400xf32, #tpu.memory_space<vmem>>[vector<16xi32>], vector<16xf32>,
      %mul3A_405 = arith.mulf %add3A_399, %gather3A_403 : vector<16xf32>
      %add3A_406 = arith.addf %add3A_379, %mul3A_405 : vector<16xf32>
      %mul3A_407 = arith.mulf %add3A_399, %gather3A_404 : vector<16xf32>
      %add3A_408 = arith.addf %add3A_381, %mul3A_407 : vector<16xf32>
      %broadcast_in_dim3A_409 = arith.constant -533028.438 : f32
      %broadcast_in_dim3A_410 = vector.broadcast %broadcast_in_dim3A_409 : f32 to vector<16xf32>
      %mul3A_411 = arith.mulf %broadcast_in_dim3A_410, %sub3A_271 : vector<16xf32>
      %add3A_412 = arith.constant -1426881.63 : f32
      %add3A_413 = vector.broadcast %add3A_412 : f32 to vector<16xf32>
      %add3A_414 = arith.addf %mul3A_411, %add3A_413 : vector<16xf32>
      %mul3A_415 = arith.mulf %add3A_414, %sub3A_271 : vector<16xf32>
      %add3A_416 = arith.constant 195497.297 : f32
      %add3A_417 = vector.broadcast %add3A_416 : f32 to vector<16xf32>
      %add3A_418 = arith.addf %mul3A_415, %add3A_417 : vector<16xf32>
      %mul3A_419 = arith.mulf %add3A_418, %sub3A_271 : vector<16xf32>
      %add3A_420 = arith.constant 0x4A73BC6C : f32
      %add3A_421 = vector.broadcast %add3A_420 : f32 to vector<16xf32>
      %add3A_422 = arith.addf %mul3A_419, %add3A_421 : vector<16xf32>
      %mul3A_423 = arith.mulf %add3A_422, %sub3A_271 : vector<16xf32>
      %add3A_424 = arith.constant 3468247.75 : f32
      %add3A_425 = vector.broadcast %add3A_424 : f32 to vector<16xf32>
      %add3A_426 = arith.addf %mul3A_423, %add3A_425 : vector<16xf32>
      %add3A_427 = arith.constant 5 : i32
      %add3A_428 = vector.broadcast %add3A_427 : i32 to vector<16xi32>
      %add3A_429 = arith.addi %and3A_277, %add3A_428 : vector<16xi32>
      %gather3A_430 = tpu.vector_load_idx %arg7[%add3A_429] : memref<16400xf32, #tpu.memory_space<vmem>>[vector<16xi32>], vector<16xf32>,
      %gather3A_431 = tpu.vector_load_idx %arg8[%add3A_429] : memref<16400xf32, #tpu.memory_space<vmem>>[vector<16xi32>], vector<16xf32>,
      %mul3A_432 = arith.mulf %add3A_426, %gather3A_430 : vector<16xf32>
      %add3A_433 = arith.addf %add3A_406, %mul3A_432 : vector<16xf32>
      %mul3A_434 = arith.mulf %add3A_426, %gather3A_431 : vector<16xf32>
      %add3A_435 = arith.addf %add3A_408, %mul3A_434 : vector<16xf32>
      %broadcast_in_dim3A_436 = arith.constant 98740.2265 : f32
      %broadcast_in_dim3A_437 = vector.broadcast %broadcast_in_dim3A_436 : f32 to vector<16xf32>
      %mul3A_438 = arith.mulf %broadcast_in_dim3A_437, %sub3A_271 : vector<16xf32>
      %add3A_439 = arith.constant 630372.875 : f32
      %add3A_440 = vector.broadcast %add3A_439 : f32 to vector<16xf32>
      %add3A_441 = arith.addf %mul3A_438, %add3A_440 : vector<16xf32>
      %mul3A_442 = arith.mulf %add3A_441, %sub3A_271 : vector<16xf32>
      %add3A_443 = arith.constant 1432522.88 : f32
      %add3A_444 = vector.broadcast %add3A_443 : f32 to vector<16xf32>
      %add3A_445 = arith.addf %mul3A_442, %add3A_444 : vector<16xf32>
      %mul3A_446 = arith.mulf %add3A_445, %sub3A_271 : vector<16xf32>
      %add3A_447 = arith.constant 1450280.63 : f32
      %add3A_448 = vector.broadcast %add3A_447 : f32 to vector<16xf32>
      %add3A_449 = arith.addf %mul3A_446, %add3A_448 : vector<16xf32>
      %mul3A_450 = arith.mulf %add3A_449, %sub3A_271 : vector<16xf32>
      %add3A_451 = arith.constant 564852.313 : f32
      %add3A_452 = vector.broadcast %add3A_451 : f32 to vector<16xf32>
      %add3A_453 = arith.addf %mul3A_450, %add3A_452 : vector<16xf32>
      %add3A_454 = arith.constant 6 : i32
      %add3A_455 = vector.broadcast %add3A_454 : i32 to vector<16xi32>
      %add3A_456 = arith.addi %and3A_277, %add3A_455 : vector<16xi32>
      %gather3A_457 = tpu.vector_load_idx %arg7[%add3A_456] : memref<16400xf32, #tpu.memory_space<vmem>>[vector<16xi32>], vector<16xf32>,
      %gather3A_458 = tpu.vector_load_idx %arg8[%add3A_456] : memref<16400xf32, #tpu.memory_space<vmem>>[vector<16xi32>], vector<16xf32>,
      %mul3A_459 = arith.mulf %add3A_453, %gather3A_457 : vector<16xf32>
      %add3A_460 = arith.addf %add3A_433, %mul3A_459 : vector<16xf32>
      %mul3A_461 = arith.mulf %add3A_453, %gather3A_458 : vector<16xf32>
      %add3A_462 = arith.addf %add3A_435, %mul3A_461 : vector<16xf32>
      %broadcast_in_dim3A_463 = arith.constant 39454.5938 : f32
      %broadcast_in_dim3A_464 = vector.broadcast %broadcast_in_dim3A_463 : f32 to vector<16xf32>
      %mul3A_465 = arith.mulf %broadcast_in_dim3A_464, %sub3A_271 : vector<16xf32>
      %add3A_466 = arith.constant 119197.797 : f32
      %add3A_467 = vector.broadcast %add3A_466 : f32 to vector<16xf32>
      %add3A_468 = arith.addf %mul3A_465, %add3A_467 : vector<16xf32>
      %mul3A_469 = arith.mulf %add3A_468, %sub3A_271 : vector<16xf32>
      %add3A_470 = arith.constant 137954.094 : f32
      %add3A_471 = vector.broadcast %add3A_470 : f32 to vector<16xf32>
      %add3A_472 = arith.addf %mul3A_469, %add3A_471 : vector<16xf32>
      %mul3A_473 = arith.mulf %add3A_472, %sub3A_271 : vector<16xf32>
      %add3A_474 = arith.constant 7.364960e+04 : f32
      %add3A_475 = vector.broadcast %add3A_474 : f32 to vector<16xf32>
      %add3A_476 = arith.addf %mul3A_473, %add3A_475 : vector<16xf32>
      %mul3A_477 = arith.mulf %add3A_476, %sub3A_271 : vector<16xf32>
      %add3A_478 = arith.constant 15527.6055 : f32
      %add3A_479 = vector.broadcast %add3A_478 : f32 to vector<16xf32>
      %add3A_480 = arith.addf %mul3A_477, %add3A_479 : vector<16xf32>
      %add3A_481 = arith.constant 7 : i32
      %add3A_482 = vector.broadcast %add3A_481 : i32 to vector<16xi32>
      %add3A_483 = arith.addi %and3A_277, %add3A_482 : vector<16xi32>
      %gather3A_484 = tpu.vector_load_idx %arg7[%add3A_483] : memref<16400xf32, #tpu.memory_space<vmem>>[vector<16xi32>], vector<16xf32>,
      %gather3A_485 = tpu.vector_load_idx %arg8[%add3A_483] : memref<16400xf32, #tpu.memory_space<vmem>>[vector<16xi32>], vector<16xf32>,
      %mul3A_486 = arith.mulf %add3A_480, %gather3A_484 : vector<16xf32>
      %add3A_487 = arith.addf %add3A_460, %mul3A_486 : vector<16xf32>
      %mul3A_488 = arith.mulf %add3A_480, %gather3A_485 : vector<16xf32>
      %add3A_489 = arith.addf %add3A_462, %mul3A_488 : vector<16xf32>
      %swap3A = arith.index_cast %mul3A_262 : i32 to index
      %swap3A_490 = tpu.vector_load %arg11[%swap3A] {strides = array<i32>} : memref<8192xf32, #tpu.memory_space<vmem>>, vector<16xf32>,
      tpu.vector_store %arg11[%swap3A], %add3A_487 {strides = array<i32>} : memref<8192xf32, #tpu.memory_space<vmem>>, vector<16xf32>,
      %swap3A_491 = arith.index_cast %mul3A_262 : i32 to index
      %swap3A_492 = tpu.vector_load %arg13[%swap3A_491] {strides = array<i32>} : memref<8192xf32, #tpu.memory_space<vmem>>, vector<16xf32>,
      tpu.vector_store %arg13[%swap3A_491], %add3A_489 {strides = array<i32>} : memref<8192xf32, #tpu.memory_space<vmem>>, vector<16xf32>,
    }
    %scan3A_137 = arith.constant 512 : i32
    %dma_start3A_138 = tpu.memref_slice %arg5[%select_n3A, %add3A_120] : memref<16x65536xf32, #tpu.memory_space<hbm>> -> memref<1x8192xf32, #tpu.memory_space<hbm>>
    %dma_start3A_139 = tpu.memref_squeeze %dma_start3A_138 : memref<1x8192xf32, #tpu.memory_space<hbm>> -> memref<8192xf32, #tpu.memory_space<hbm>>
    %dma_start3A_140 = tpu.memref_slice %arg5[%select_n3A, %add3A_120] : memref<16x65536xf32, #tpu.memory_space<hbm>> -> memref<1x8192xf32, #tpu.memory_space<hbm>>
    %dma_start3A_141 = tpu.memref_squeeze %dma_start3A_140 : memref<1x8192xf32, #tpu.memory_space<hbm>> -> memref<8192xf32, #tpu.memory_space<hbm>>
    tpu.enqueue_dma source(%arg11 : memref<8192xf32, #tpu.memory_space<vmem>>) target(%dma_start3A_141 : memref<8192xf32, #tpu.memory_space<hbm>>) target_semaphore(%arg19 : memref<!tpu.dma_semaphore, #tpu.memory_space<semaphore_mem>>)
    %dma_start3A_142 = tpu.memref_slice %arg6[%select_n3A, %add3A_120] : memref<16x65536xf32, #tpu.memory_space<hbm>> -> memref<1x8192xf32, #tpu.memory_space<hbm>>
    %dma_start3A_143 = tpu.memref_squeeze %dma_start3A_142 : memref<1x8192xf32, #tpu.memory_space<hbm>> -> memref<8192xf32, #tpu.memory_space<hbm>>
    %dma_start3A_144 = tpu.memref_slice %arg6[%select_n3A, %add3A_120] : memref<16x65536xf32, #tpu.memory_space<hbm>> -> memref<1x8192xf32, #tpu.memory_space<hbm>>
    %dma_start3A_145 = tpu.memref_squeeze %dma_start3A_144 : memref<1x8192xf32, #tpu.memory_space<hbm>> -> memref<8192xf32, #tpu.memory_space<hbm>>
    tpu.enqueue_dma source(%arg13 : memref<8192xf32, #tpu.memory_space<vmem>>) target(%dma_start3A_145 : memref<8192xf32, #tpu.memory_space<hbm>>) target_semaphore(%arg19 : memref<!tpu.dma_semaphore, #tpu.memory_space<semaphore_mem>>)
    %mul3A_146 = arith.constant 32768 : i32
    %mul3A_147 = arith.muli %select_n3A_30, %mul3A_146 : i32
    %add3A_148 = arith.constant 8192 : i32
    %add3A_149 = arith.addi %mul3A_147, %add3A_148 : i32
    %dma_wait3A_150 = tpu.memref_slice %arg2[%select_n3A, %add3A_128] : memref<16x65536xf32, #tpu.memory_space<hbm>> -> memref<1x8192xf32, #tpu.memory_space<hbm>>
    %dma_wait3A_151 = tpu.memref_squeeze %dma_wait3A_150 : memref<1x8192xf32, #tpu.memory_space<hbm>> -> memref<8192xf32, #tpu.memory_space<hbm>>
    %dma_wait3A_152 = tpu.memref_slice %arg2[%select_n3A, %add3A_128] : memref<16x65536xf32, #tpu.memory_space<hbm>> -> memref<1x8192xf32, #tpu.memory_space<hbm>>
    %dma_wait3A_153 = tpu.memref_squeeze %dma_wait3A_152 : memref<1x8192xf32, #tpu.memory_space<hbm>> -> memref<8192xf32, #tpu.memory_space<hbm>>
    tpu.wait_dma2 semaphore(%arg18 : memref<!tpu.dma_semaphore, #tpu.memory_space<semaphore_mem>>) src(%dma_wait3A_153 : memref<8192xf32, #tpu.memory_space<hbm>>) dst(%arg10 : memref<8192xf32, #tpu.memory_space<vmem>>)
    %mul3A_154 = arith.constant 32768 : i32
    %mul3A_155 = arith.muli %select_n3A_30, %mul3A_154 : i32
    %add3A_156 = arith.constant 16384 : i32
    %add3A_157 = arith.addi %mul3A_155, %add3A_156 : i32
    %dma_start3A_158 = tpu.memref_slice %arg2[%select_n3A, %add3A_157] : memref<16x65536xf32, #tpu.memory_space<hbm>> -> memref<1x8192xf32, #tpu.memory_space<hbm>>
    %dma_start3A_159 = tpu.memref_squeeze %dma_start3A_158 : memref<1x8192xf32, #tpu.memory_space<hbm>> -> memref<8192xf32, #tpu.memory_space<hbm>>
    %dma_start3A_160 = tpu.memref_slice %arg2[%select_n3A, %add3A_157] : memref<16x65536xf32, #tpu.memory_space<hbm>> -> memref<1x8192xf32, #tpu.memory_space<hbm>>
    %dma_start3A_161 = tpu.memref_squeeze %dma_start3A_160 : memref<1x8192xf32, #tpu.memory_space<hbm>> -> memref<8192xf32, #tpu.memory_space<hbm>>
    tpu.enqueue_dma source(%dma_start3A_161 : memref<8192xf32, #tpu.memory_space<hbm>>) target(%arg9 : memref<8192xf32, #tpu.memory_space<vmem>>) target_semaphore(%arg17 : memref<!tpu.dma_semaphore, #tpu.memory_space<semaphore_mem>>)
    %scan3A_162 = arith.constant 0 : i32
    %scan3A_163 = arith.constant 0 : i32
    %scan3A_164 = arith.constant 512 : i32
    %scan3A_165 = arith.addi %scan3A_163, %scan3A_164 : i32
    %scan3A_166 = arith.constant 1 : i32
    scf.for %scan3A_260 = %scan3A_163 to %scan3A_165 step %scan3A_166  : i32 {
      %mul3A_261 = arith.constant 16 : i32
      %mul3A_262 = arith.muli %scan3A_260, %mul3A_261 : i32
      %get3A = arith.index_cast %mul3A_262 : i32 to index
      %get3A_263 = tpu.vector_load %arg10[%get3A] {strides = array<i32>} : memref<8192xf32, #tpu.memory_space<vmem>>, vector<16xf32>,
      %mul3A_264 = arith.constant 1.638400e+04 : f32
      %mul3A_265 = vector.broadcast %mul3A_264 : f32 to vector<16xf32>
      %mul3A_266 = arith.mulf %get3A_263, %mul3A_265 : vector<16xf32>
      %convert_element_type3A = arith.fptosi %mul3A_266 : vector<16xf32> to vector<16xi32>
      %convert_element_type3A_267 = arith.sitofp %convert_element_type3A : vector<16xi32> to vector<16xf32>
      %gt3A = arith.cmpf ogt, %mul3A_266, %convert_element_type3A_267 : vector<16xf32>
      %convert_element_type3A_268 = arith.extui %gt3A : vector<16xi1> to vector<16xi32>
      %add3A_269 = arith.addi %convert_element_type3A, %convert_element_type3A_268 : vector<16xi32>
      %convert_element_type3A_270 = arith.sitofp %add3A_269 : vector<16xi32> to vector<16xf32>
      %sub3A_271 = arith.subf %mul3A_266, %convert_element_type3A_270 : vector<16xf32>
      %add3A_272 = arith.constant 16380 : i32
      %add3A_273 = vector.broadcast %add3A_272 : i32 to vector<16xi32>
      %add3A_274 = arith.addi %add3A_269, %add3A_273 : vector<16xi32>
      %and3A_275 = arith.constant 16383 : i32
      %and3A_276 = vector.broadcast %and3A_275 : i32 to vector<16xi32>
      %and3A_277 = arith.andi %add3A_274, %and3A_276 : vector<16xi32>
      %broadcast_in_dim3A = arith.constant 39454.5938 : f32
      %broadcast_in_dim3A_278 = vector.broadcast %broadcast_in_dim3A : f32 to vector<16xf32>
      %mul3A_279 = arith.mulf %broadcast_in_dim3A_278, %sub3A_271 : vector<16xf32>
      %add3A_280 = arith.constant 38620.5781 : f32
      %add3A_281 = vector.broadcast %add3A_280 : f32 to vector<16xf32>
      %add3A_282 = arith.addf %mul3A_279, %add3A_281 : vector<16xf32>
      %mul3A_283 = arith.mulf %add3A_282, %sub3A_271 : vector<16xf32>
      %add3A_284 = arith.constant 17088.2676 : f32
      %add3A_285 = vector.broadcast %add3A_284 : f32 to vector<16xf32>
      %add3A_286 = arith.addf %mul3A_283, %add3A_285 : vector<16xf32>
      %mul3A_287 = arith.mulf %add3A_286, %sub3A_271 : vector<16xf32>
      %add3A_288 = arith.constant 2483.5769 : f32
      %add3A_289 = vector.broadcast %add3A_288 : f32 to vector<16xf32>
      %add3A_290 = arith.addf %mul3A_287, %add3A_289 : vector<16xf32>
      %mul3A_291 = arith.mulf %add3A_290, %sub3A_271 : vector<16xf32>
      %add3A_292 = arith.constant 88.899437 : f32
      %add3A_293 = vector.broadcast %add3A_292 : f32 to vector<16xf32>
      %add3A_294 = arith.addf %mul3A_291, %add3A_293 : vector<16xf32>
      %add3A_295 = arith.constant 0 : i32
      %add3A_296 = vector.broadcast %add3A_295 : i32 to vector<16xi32>
      %add3A_297 = arith.addi %and3A_277, %add3A_296 : vector<16xi32>
      %gather3A = tpu.vector_load_idx %arg7[%add3A_297] : memref<16400xf32, #tpu.memory_space<vmem>>[vector<16xi32>], vector<16xf32>,
      %gather3A_298 = tpu.vector_load_idx %arg8[%add3A_297] : memref<16400xf32, #tpu.memory_space<vmem>>[vector<16xi32>], vector<16xf32>,
      %mul3A_299 = arith.mulf %add3A_294, %gather3A : vector<16xf32>
      %mul3A_300 = arith.mulf %add3A_294, %gather3A_298 : vector<16xf32>
      %broadcast_in_dim3A_301 = arith.constant 98740.2265 : f32
      %broadcast_in_dim3A_302 = vector.broadcast %broadcast_in_dim3A_301 : f32 to vector<16xf32>
      %mul3A_303 = arith.mulf %broadcast_in_dim3A_302, %sub3A_271 : vector<16xf32>
      %add3A_304 = arith.constant -235411.938 : f32
      %add3A_305 = vector.broadcast %add3A_304 : f32 to vector<16xf32>
      %add3A_306 = arith.addf %mul3A_303, %add3A_305 : vector<16xf32>
      %mul3A_307 = arith.mulf %add3A_306, %sub3A_271 : vector<16xf32>
      %add3A_308 = arith.constant 133845.719 : f32
      %add3A_309 = vector.broadcast %add3A_308 : f32 to vector<16xf32>
      %add3A_310 = arith.addf %mul3A_307, %add3A_309 : vector<16xf32>
      %mul3A_311 = arith.mulf %add3A_310, %sub3A_271 : vector<16xf32>
      %add3A_312 = arith.constant -81392.5234 : f32
      %add3A_313 = vector.broadcast %add3A_312 : f32 to vector<16xf32>
      %add3A_314 = arith.addf %mul3A_311, %add3A_313 : vector<16xf32>
      %mul3A_315 = arith.mulf %add3A_314, %sub3A_271 : vector<16xf32>
      %add3A_316 = arith.constant 15461.9229 : f32
      %add3A_317 = vector.broadcast %add3A_316 : f32 to vector<16xf32>
      %add3A_318 = arith.addf %mul3A_315, %add3A_317 : vector<16xf32>
      %add3A_319 = arith.constant 1 : i32
      %add3A_320 = vector.broadcast %add3A_319 : i32 to vector<16xi32>
      %add3A_321 = arith.addi %and3A_277, %add3A_320 : vector<16xi32>
      %gather3A_322 = tpu.vector_load_idx %arg7[%add3A_321] : memref<16400xf32, #tpu.memory_space<vmem>>[vector<16xi32>], vector<16xf32>,
      %gather3A_323 = tpu.vector_load_idx %arg8[%add3A_321] : memref<16400xf32, #tpu.memory_space<vmem>>[vector<16xi32>], vector<16xf32>,
      %mul3A_324 = arith.mulf %add3A_318, %gather3A_322 : vector<16xf32>
      %add3A_325 = arith.addf %mul3A_299, %mul3A_324 : vector<16xf32>
      %mul3A_326 = arith.mulf %add3A_318, %gather3A_323 : vector<16xf32>
      %add3A_327 = arith.addf %mul3A_300, %mul3A_326 : vector<16xf32>
      %broadcast_in_dim3A_328 = arith.constant -533028.438 : f32
      %broadcast_in_dim3A_329 = vector.broadcast %broadcast_in_dim3A_328 : f32 to vector<16xf32>
      %mul3A_330 = arith.mulf %broadcast_in_dim3A_329, %sub3A_271 : vector<16xf32>
      %add3A_331 = arith.constant -705232.25 : f32
      %add3A_332 = vector.broadcast %add3A_331 : f32 to vector<16xf32>
      %add3A_333 = arith.addf %mul3A_330, %add3A_332 : vector<16xf32>
      %mul3A_334 = arith.mulf %add3A_333, %sub3A_271 : vector<16xf32>
      %add3A_335 = arith.constant 1277971.38 : f32
      %add3A_336 = vector.broadcast %add3A_335 : f32 to vector<16xf32>
      %add3A_337 = arith.addf %mul3A_334, %add3A_336 : vector<16xf32>
      %mul3A_338 = arith.mulf %add3A_337, %sub3A_271 : vector<16xf32>
      %add3A_339 = arith.constant -1453845.5 : f32
      %add3A_340 = vector.broadcast %add3A_339 : f32 to vector<16xf32>
      %add3A_341 = arith.addf %mul3A_338, %add3A_340 : vector<16xf32>
      %mul3A_342 = arith.mulf %add3A_341, %sub3A_271 : vector<16xf32>
      %add3A_343 = arith.constant 5.642270e+05 : f32
      %add3A_344 = vector.broadcast %add3A_343 : f32 to vector<16xf32>
      %add3A_345 = arith.addf %mul3A_342, %add3A_344 : vector<16xf32>
      %add3A_346 = arith.constant 2 : i32
      %add3A_347 = vector.broadcast %add3A_346 : i32 to vector<16xi32>
      %add3A_348 = arith.addi %and3A_277, %add3A_347 : vector<16xi32>
      %gather3A_349 = tpu.vector_load_idx %arg7[%add3A_348] : memref<16400xf32, #tpu.memory_space<vmem>>[vector<16xi32>], vector<16xf32>,
      %gather3A_350 = tpu.vector_load_idx %arg8[%add3A_348] : memref<16400xf32, #tpu.memory_space<vmem>>[vector<16xi32>], vector<16xf32>,
      %mul3A_351 = arith.mulf %add3A_345, %gather3A_349 : vector<16xf32>
      %add3A_352 = arith.addf %add3A_325, %mul3A_351 : vector<16xf32>
      %mul3A_353 = arith.mulf %add3A_345, %gather3A_350 : vector<16xf32>
      %add3A_354 = arith.addf %add3A_327, %mul3A_353 : vector<16xf32>
      %broadcast_in_dim3A_355 = arith.constant 394819.938 : f32
      %broadcast_in_dim3A_356 = vector.broadcast %broadcast_in_dim3A_355 : f32 to vector<16xf32>
      %mul3A_357 = arith.mulf %broadcast_in_dim3A_356, %sub3A_271 : vector<16xf32>
      %add3A_358 = arith.constant 0x4A037304 : f32
      %add3A_359 = vector.broadcast %add3A_358 : f32 to vector<16xf32>
      %add3A_360 = arith.addf %mul3A_357, %add3A_359 : vector<16xf32>
      %mul3A_361 = arith.mulf %add3A_360, %sub3A_271 : vector<16xf32>
      %add3A_362 = arith.constant 448577.969 : f32
      %add3A_363 = vector.broadcast %add3A_362 : f32 to vector<16xf32>
      %add3A_364 = arith.addf %mul3A_361, %add3A_363 : vector<16xf32>
      %mul3A_365 = arith.mulf %add3A_364, %sub3A_271 : vector<16xf32>
      %add3A_366 = arith.constant -3949402.5 : f32
      %add3A_367 = vector.broadcast %add3A_366 : f32 to vector<16xf32>
      %add3A_368 = arith.addf %mul3A_365, %add3A_367 : vector<16xf32>
      %mul3A_369 = arith.mulf %add3A_368, %sub3A_271 : vector<16xf32>
      %add3A_370 = arith.constant 3469340.75 : f32
      %add3A_371 = vector.broadcast %add3A_370 : f32 to vector<16xf32>
      %add3A_372 = arith.addf %mul3A_369, %add3A_371 : vector<16xf32>
      %add3A_373 = arith.constant 3 : i32
      %add3A_374 = vector.broadcast %add3A_373 : i32 to vector<16xi32>
      %add3A_375 = arith.addi %and3A_277, %add3A_374 : vector<16xi32>
      %gather3A_376 = tpu.vector_load_idx %arg7[%add3A_375] : memref<16400xf32, #tpu.memory_space<vmem>>[vector<16xi32>], vector<16xf32>,
      %gather3A_377 = tpu.vector_load_idx %arg8[%add3A_375] : memref<16400xf32, #tpu.memory_space<vmem>>[vector<16xi32>], vector<16xf32>,
      %mul3A_378 = arith.mulf %add3A_372, %gather3A_376 : vector<16xf32>
      %add3A_379 = arith.addf %add3A_352, %mul3A_378 : vector<16xf32>
      %mul3A_380 = arith.mulf %add3A_372, %gather3A_377 : vector<16xf32>
      %add3A_381 = arith.addf %add3A_354, %mul3A_380 : vector<16xf32>
      %broadcast_in_dim3A_382 = arith.constant 394819.938 : f32
      %broadcast_in_dim3A_383 = vector.broadcast %broadcast_in_dim3A_382 : f32 to vector<16xf32>
      %mul3A_384 = arith.mulf %broadcast_in_dim3A_383, %sub3A_271 : vector<16xf32>
      %add3A_385 = arith.constant -574385.375 : f32
      %add3A_386 = vector.broadcast %add3A_385 : f32 to vector<16xf32>
      %add3A_387 = arith.addf %mul3A_384, %add3A_386 : vector<16xf32>
      %mul3A_388 = arith.mulf %add3A_387, %sub3A_271 : vector<16xf32>
      %add3A_389 = arith.constant -3643497.75 : f32
      %add3A_390 = vector.broadcast %add3A_389 : f32 to vector<16xf32>
      %add3A_391 = arith.addf %mul3A_388, %add3A_390 : vector<16xf32>
      %mul3A_392 = arith.mulf %add3A_391, %sub3A_271 : vector<16xf32>
      %add3A_393 = arith.constant -35157.1211 : f32
      %add3A_394 = vector.broadcast %add3A_393 : f32 to vector<16xf32>
      %add3A_395 = arith.addf %mul3A_392, %add3A_394 : vector<16xf32>
      %mul3A_396 = arith.mulf %add3A_395, %sub3A_271 : vector<16xf32>
      %add3A_397 = arith.constant 0x4ABA6A78 : f32
      %add3A_398 = vector.broadcast %add3A_397 : f32 to vector<16xf32>
      %add3A_399 = arith.addf %mul3A_396, %add3A_398 : vector<16xf32>
      %add3A_400 = arith.constant 4 : i32
      %add3A_401 = vector.broadcast %add3A_400 : i32 to vector<16xi32>
      %add3A_402 = arith.addi %and3A_277, %add3A_401 : vector<16xi32>
      %gather3A_403 = tpu.vector_load_idx %arg7[%add3A_402] : memref<16400xf32, #tpu.memory_space<vmem>>[vector<16xi32>], vector<16xf32>,
      %gather3A_404 = tpu.vector_load_idx %arg8[%add3A_402] : memref<16400xf32, #tpu.memory_space<vmem>>[vector<16xi32>], vector<16xf32>,
      %mul3A_405 = arith.mulf %add3A_399, %gather3A_403 : vector<16xf32>
      %add3A_406 = arith.addf %add3A_379, %mul3A_405 : vector<16xf32>
      %mul3A_407 = arith.mulf %add3A_399, %gather3A_404 : vector<16xf32>
      %add3A_408 = arith.addf %add3A_381, %mul3A_407 : vector<16xf32>
      %broadcast_in_dim3A_409 = arith.constant -533028.438 : f32
      %broadcast_in_dim3A_410 = vector.broadcast %broadcast_in_dim3A_409 : f32 to vector<16xf32>
      %mul3A_411 = arith.mulf %broadcast_in_dim3A_410, %sub3A_271 : vector<16xf32>
      %add3A_412 = arith.constant -1426881.63 : f32
      %add3A_413 = vector.broadcast %add3A_412 : f32 to vector<16xf32>
      %add3A_414 = arith.addf %mul3A_411, %add3A_413 : vector<16xf32>
      %mul3A_415 = arith.mulf %add3A_414, %sub3A_271 : vector<16xf32>
      %add3A_416 = arith.constant 195497.297 : f32
      %add3A_417 = vector.broadcast %add3A_416 : f32 to vector<16xf32>
      %add3A_418 = arith.addf %mul3A_415, %add3A_417 : vector<16xf32>
      %mul3A_419 = arith.mulf %add3A_418, %sub3A_271 : vector<16xf32>
      %add3A_420 = arith.constant 0x4A73BC6C : f32
      %add3A_421 = vector.broadcast %add3A_420 : f32 to vector<16xf32>
      %add3A_422 = arith.addf %mul3A_419, %add3A_421 : vector<16xf32>
      %mul3A_423 = arith.mulf %add3A_422, %sub3A_271 : vector<16xf32>
      %add3A_424 = arith.constant 3468247.75 : f32
      %add3A_425 = vector.broadcast %add3A_424 : f32 to vector<16xf32>
      %add3A_426 = arith.addf %mul3A_423, %add3A_425 : vector<16xf32>
      %add3A_427 = arith.constant 5 : i32
      %add3A_428 = vector.broadcast %add3A_427 : i32 to vector<16xi32>
      %add3A_429 = arith.addi %and3A_277, %add3A_428 : vector<16xi32>
      %gather3A_430 = tpu.vector_load_idx %arg7[%add3A_429] : memref<16400xf32, #tpu.memory_space<vmem>>[vector<16xi32>], vector<16xf32>,
      %gather3A_431 = tpu.vector_load_idx %arg8[%add3A_429] : memref<16400xf32, #tpu.memory_space<vmem>>[vector<16xi32>], vector<16xf32>,
      %mul3A_432 = arith.mulf %add3A_426, %gather3A_430 : vector<16xf32>
      %add3A_433 = arith.addf %add3A_406, %mul3A_432 : vector<16xf32>
      %mul3A_434 = arith.mulf %add3A_426, %gather3A_431 : vector<16xf32>
      %add3A_435 = arith.addf %add3A_408, %mul3A_434 : vector<16xf32>
      %broadcast_in_dim3A_436 = arith.constant 98740.2265 : f32
      %broadcast_in_dim3A_437 = vector.broadcast %broadcast_in_dim3A_436 : f32 to vector<16xf32>
      %mul3A_438 = arith.mulf %broadcast_in_dim3A_437, %sub3A_271 : vector<16xf32>
      %add3A_439 = arith.constant 630372.875 : f32
      %add3A_440 = vector.broadcast %add3A_439 : f32 to vector<16xf32>
      %add3A_441 = arith.addf %mul3A_438, %add3A_440 : vector<16xf32>
      %mul3A_442 = arith.mulf %add3A_441, %sub3A_271 : vector<16xf32>
      %add3A_443 = arith.constant 1432522.88 : f32
      %add3A_444 = vector.broadcast %add3A_443 : f32 to vector<16xf32>
      %add3A_445 = arith.addf %mul3A_442, %add3A_444 : vector<16xf32>
      %mul3A_446 = arith.mulf %add3A_445, %sub3A_271 : vector<16xf32>
      %add3A_447 = arith.constant 1450280.63 : f32
      %add3A_448 = vector.broadcast %add3A_447 : f32 to vector<16xf32>
      %add3A_449 = arith.addf %mul3A_446, %add3A_448 : vector<16xf32>
      %mul3A_450 = arith.mulf %add3A_449, %sub3A_271 : vector<16xf32>
      %add3A_451 = arith.constant 564852.313 : f32
      %add3A_452 = vector.broadcast %add3A_451 : f32 to vector<16xf32>
      %add3A_453 = arith.addf %mul3A_450, %add3A_452 : vector<16xf32>
      %add3A_454 = arith.constant 6 : i32
      %add3A_455 = vector.broadcast %add3A_454 : i32 to vector<16xi32>
      %add3A_456 = arith.addi %and3A_277, %add3A_455 : vector<16xi32>
      %gather3A_457 = tpu.vector_load_idx %arg7[%add3A_456] : memref<16400xf32, #tpu.memory_space<vmem>>[vector<16xi32>], vector<16xf32>,
      %gather3A_458 = tpu.vector_load_idx %arg8[%add3A_456] : memref<16400xf32, #tpu.memory_space<vmem>>[vector<16xi32>], vector<16xf32>,
      %mul3A_459 = arith.mulf %add3A_453, %gather3A_457 : vector<16xf32>
      %add3A_460 = arith.addf %add3A_433, %mul3A_459 : vector<16xf32>
      %mul3A_461 = arith.mulf %add3A_453, %gather3A_458 : vector<16xf32>
      %add3A_462 = arith.addf %add3A_435, %mul3A_461 : vector<16xf32>
      %broadcast_in_dim3A_463 = arith.constant 39454.5938 : f32
      %broadcast_in_dim3A_464 = vector.broadcast %broadcast_in_dim3A_463 : f32 to vector<16xf32>
      %mul3A_465 = arith.mulf %broadcast_in_dim3A_464, %sub3A_271 : vector<16xf32>
      %add3A_466 = arith.constant 119197.797 : f32
      %add3A_467 = vector.broadcast %add3A_466 : f32 to vector<16xf32>
      %add3A_468 = arith.addf %mul3A_465, %add3A_467 : vector<16xf32>
      %mul3A_469 = arith.mulf %add3A_468, %sub3A_271 : vector<16xf32>
      %add3A_470 = arith.constant 137954.094 : f32
      %add3A_471 = vector.broadcast %add3A_470 : f32 to vector<16xf32>
      %add3A_472 = arith.addf %mul3A_469, %add3A_471 : vector<16xf32>
      %mul3A_473 = arith.mulf %add3A_472, %sub3A_271 : vector<16xf32>
      %add3A_474 = arith.constant 7.364960e+04 : f32
      %add3A_475 = vector.broadcast %add3A_474 : f32 to vector<16xf32>
      %add3A_476 = arith.addf %mul3A_473, %add3A_475 : vector<16xf32>
      %mul3A_477 = arith.mulf %add3A_476, %sub3A_271 : vector<16xf32>
      %add3A_478 = arith.constant 15527.6055 : f32
      %add3A_479 = vector.broadcast %add3A_478 : f32 to vector<16xf32>
      %add3A_480 = arith.addf %mul3A_477, %add3A_479 : vector<16xf32>
      %add3A_481 = arith.constant 7 : i32
      %add3A_482 = vector.broadcast %add3A_481 : i32 to vector<16xi32>
      %add3A_483 = arith.addi %and3A_277, %add3A_482 : vector<16xi32>
      %gather3A_484 = tpu.vector_load_idx %arg7[%add3A_483] : memref<16400xf32, #tpu.memory_space<vmem>>[vector<16xi32>], vector<16xf32>,
      %gather3A_485 = tpu.vector_load_idx %arg8[%add3A_483] : memref<16400xf32, #tpu.memory_space<vmem>>[vector<16xi32>], vector<16xf32>,
      %mul3A_486 = arith.mulf %add3A_480, %gather3A_484 : vector<16xf32>
      %add3A_487 = arith.addf %add3A_460, %mul3A_486 : vector<16xf32>
      %mul3A_488 = arith.mulf %add3A_480, %gather3A_485 : vector<16xf32>
      %add3A_489 = arith.addf %add3A_462, %mul3A_488 : vector<16xf32>
      %swap3A = arith.index_cast %mul3A_262 : i32 to index
      %swap3A_490 = tpu.vector_load %arg12[%swap3A] {strides = array<i32>} : memref<8192xf32, #tpu.memory_space<vmem>>, vector<16xf32>,
      tpu.vector_store %arg12[%swap3A], %add3A_487 {strides = array<i32>} : memref<8192xf32, #tpu.memory_space<vmem>>, vector<16xf32>,
      %swap3A_491 = arith.index_cast %mul3A_262 : i32 to index
      %swap3A_492 = tpu.vector_load %arg14[%swap3A_491] {strides = array<i32>} : memref<8192xf32, #tpu.memory_space<vmem>>, vector<16xf32>,
      tpu.vector_store %arg14[%swap3A_491], %add3A_489 {strides = array<i32>} : memref<8192xf32, #tpu.memory_space<vmem>>, vector<16xf32>,
    }
    %scan3A_167 = arith.constant 512 : i32
    %dma_start3A_168 = tpu.memref_slice %arg5[%select_n3A, %add3A_149] : memref<16x65536xf32, #tpu.memory_space<hbm>> -> memref<1x8192xf32, #tpu.memory_space<hbm>>
    %dma_start3A_169 = tpu.memref_squeeze %dma_start3A_168 : memref<1x8192xf32, #tpu.memory_space<hbm>> -> memref<8192xf32, #tpu.memory_space<hbm>>
    %dma_start3A_170 = tpu.memref_slice %arg5[%select_n3A, %add3A_149] : memref<16x65536xf32, #tpu.memory_space<hbm>> -> memref<1x8192xf32, #tpu.memory_space<hbm>>
    %dma_start3A_171 = tpu.memref_squeeze %dma_start3A_170 : memref<1x8192xf32, #tpu.memory_space<hbm>> -> memref<8192xf32, #tpu.memory_space<hbm>>
    tpu.enqueue_dma source(%arg12 : memref<8192xf32, #tpu.memory_space<vmem>>) target(%dma_start3A_171 : memref<8192xf32, #tpu.memory_space<hbm>>) target_semaphore(%arg20 : memref<!tpu.dma_semaphore, #tpu.memory_space<semaphore_mem>>)
    %dma_start3A_172 = tpu.memref_slice %arg6[%select_n3A, %add3A_149] : memref<16x65536xf32, #tpu.memory_space<hbm>> -> memref<1x8192xf32, #tpu.memory_space<hbm>>
    %dma_start3A_173 = tpu.memref_squeeze %dma_start3A_172 : memref<1x8192xf32, #tpu.memory_space<hbm>> -> memref<8192xf32, #tpu.memory_space<hbm>>
    %dma_start3A_174 = tpu.memref_slice %arg6[%select_n3A, %add3A_149] : memref<16x65536xf32, #tpu.memory_space<hbm>> -> memref<1x8192xf32, #tpu.memory_space<hbm>>
    %dma_start3A_175 = tpu.memref_squeeze %dma_start3A_174 : memref<1x8192xf32, #tpu.memory_space<hbm>> -> memref<8192xf32, #tpu.memory_space<hbm>>
    tpu.enqueue_dma source(%arg14 : memref<8192xf32, #tpu.memory_space<vmem>>) target(%dma_start3A_175 : memref<8192xf32, #tpu.memory_space<hbm>>) target_semaphore(%arg20 : memref<!tpu.dma_semaphore, #tpu.memory_space<semaphore_mem>>)
    %mul3A_176 = arith.constant 32768 : i32
    %mul3A_177 = arith.muli %select_n3A_30, %mul3A_176 : i32
    %add3A_178 = arith.constant 16384 : i32
    %add3A_179 = arith.addi %mul3A_177, %add3A_178 : i32
    %dma_wait3A_180 = tpu.memref_slice %arg2[%select_n3A, %add3A_157] : memref<16x65536xf32, #tpu.memory_space<hbm>> -> memref<1x8192xf32, #tpu.memory_space<hbm>>
    %dma_wait3A_181 = tpu.memref_squeeze %dma_wait3A_180 : memref<1x8192xf32, #tpu.memory_space<hbm>> -> memref<8192xf32, #tpu.memory_space<hbm>>
    %dma_wait3A_182 = tpu.memref_slice %arg2[%select_n3A, %add3A_157] : memref<16x65536xf32, #tpu.memory_space<hbm>> -> memref<1x8192xf32, #tpu.memory_space<hbm>>
    %dma_wait3A_183 = tpu.memref_squeeze %dma_wait3A_182 : memref<1x8192xf32, #tpu.memory_space<hbm>> -> memref<8192xf32, #tpu.memory_space<hbm>>
    tpu.wait_dma2 semaphore(%arg17 : memref<!tpu.dma_semaphore, #tpu.memory_space<semaphore_mem>>) src(%dma_wait3A_183 : memref<8192xf32, #tpu.memory_space<hbm>>) dst(%arg9 : memref<8192xf32, #tpu.memory_space<vmem>>)
    %mul3A_184 = arith.constant 32768 : i32
    %mul3A_185 = arith.muli %select_n3A_30, %mul3A_184 : i32
    %add3A_186 = arith.constant 24576 : i32
    %add3A_187 = arith.addi %mul3A_185, %add3A_186 : i32
    %dma_start3A_188 = tpu.memref_slice %arg2[%select_n3A, %add3A_187] : memref<16x65536xf32, #tpu.memory_space<hbm>> -> memref<1x8192xf32, #tpu.memory_space<hbm>>
    %dma_start3A_189 = tpu.memref_squeeze %dma_start3A_188 : memref<1x8192xf32, #tpu.memory_space<hbm>> -> memref<8192xf32, #tpu.memory_space<hbm>>
    %dma_start3A_190 = tpu.memref_slice %arg2[%select_n3A, %add3A_187] : memref<16x65536xf32, #tpu.memory_space<hbm>> -> memref<1x8192xf32, #tpu.memory_space<hbm>>
    %dma_start3A_191 = tpu.memref_squeeze %dma_start3A_190 : memref<1x8192xf32, #tpu.memory_space<hbm>> -> memref<8192xf32, #tpu.memory_space<hbm>>
    tpu.enqueue_dma source(%dma_start3A_191 : memref<8192xf32, #tpu.memory_space<hbm>>) target(%arg10 : memref<8192xf32, #tpu.memory_space<vmem>>) target_semaphore(%arg18 : memref<!tpu.dma_semaphore, #tpu.memory_space<semaphore_mem>>)
    %dma_wait3A_192 = tpu.memref_slice %arg5[%select_n3A, %add3A_120] : memref<16x65536xf32, #tpu.memory_space<hbm>> -> memref<1x8192xf32, #tpu.memory_space<hbm>>
    %dma_wait3A_193 = tpu.memref_squeeze %dma_wait3A_192 : memref<1x8192xf32, #tpu.memory_space<hbm>> -> memref<8192xf32, #tpu.memory_space<hbm>>
    %dma_wait3A_194 = tpu.memref_slice %arg5[%select_n3A, %add3A_120] : memref<16x65536xf32, #tpu.memory_space<hbm>> -> memref<1x8192xf32, #tpu.memory_space<hbm>>
    %dma_wait3A_195 = tpu.memref_squeeze %dma_wait3A_194 : memref<1x8192xf32, #tpu.memory_space<hbm>> -> memref<8192xf32, #tpu.memory_space<hbm>>
    tpu.wait_dma2 semaphore(%arg19 : memref<!tpu.dma_semaphore, #tpu.memory_space<semaphore_mem>>) src(%arg11 : memref<8192xf32, #tpu.memory_space<vmem>>) dst(%dma_wait3A_195 : memref<8192xf32, #tpu.memory_space<hbm>>)
    %dma_wait3A_196 = tpu.memref_slice %arg6[%select_n3A, %add3A_120] : memref<16x65536xf32, #tpu.memory_space<hbm>> -> memref<1x8192xf32, #tpu.memory_space<hbm>>
    %dma_wait3A_197 = tpu.memref_squeeze %dma_wait3A_196 : memref<1x8192xf32, #tpu.memory_space<hbm>> -> memref<8192xf32, #tpu.memory_space<hbm>>
    %dma_wait3A_198 = tpu.memref_slice %arg6[%select_n3A, %add3A_120] : memref<16x65536xf32, #tpu.memory_space<hbm>> -> memref<1x8192xf32, #tpu.memory_space<hbm>>
    %dma_wait3A_199 = tpu.memref_squeeze %dma_wait3A_198 : memref<1x8192xf32, #tpu.memory_space<hbm>> -> memref<8192xf32, #tpu.memory_space<hbm>>
    tpu.wait_dma2 semaphore(%arg19 : memref<!tpu.dma_semaphore, #tpu.memory_space<semaphore_mem>>) src(%arg13 : memref<8192xf32, #tpu.memory_space<vmem>>) dst(%dma_wait3A_199 : memref<8192xf32, #tpu.memory_space<hbm>>)
    %scan3A_200 = arith.constant 0 : i32
    %scan3A_201 = arith.constant 0 : i32
    %scan3A_202 = arith.constant 512 : i32
    %scan3A_203 = arith.addi %scan3A_201, %scan3A_202 : i32
    %scan3A_204 = arith.constant 1 : i32
    scf.for %scan3A_260 = %scan3A_201 to %scan3A_203 step %scan3A_204  : i32 {
      %mul3A_261 = arith.constant 16 : i32
      %mul3A_262 = arith.muli %scan3A_260, %mul3A_261 : i32
      %get3A = arith.index_cast %mul3A_262 : i32 to index
      %get3A_263 = tpu.vector_load %arg9[%get3A] {strides = array<i32>} : memref<8192xf32, #tpu.memory_space<vmem>>, vector<16xf32>,
      %mul3A_264 = arith.constant 1.638400e+04 : f32
      %mul3A_265 = vector.broadcast %mul3A_264 : f32 to vector<16xf32>
      %mul3A_266 = arith.mulf %get3A_263, %mul3A_265 : vector<16xf32>
      %convert_element_type3A = arith.fptosi %mul3A_266 : vector<16xf32> to vector<16xi32>
      %convert_element_type3A_267 = arith.sitofp %convert_element_type3A : vector<16xi32> to vector<16xf32>
      %gt3A = arith.cmpf ogt, %mul3A_266, %convert_element_type3A_267 : vector<16xf32>
      %convert_element_type3A_268 = arith.extui %gt3A : vector<16xi1> to vector<16xi32>
      %add3A_269 = arith.addi %convert_element_type3A, %convert_element_type3A_268 : vector<16xi32>
      %convert_element_type3A_270 = arith.sitofp %add3A_269 : vector<16xi32> to vector<16xf32>
      %sub3A_271 = arith.subf %mul3A_266, %convert_element_type3A_270 : vector<16xf32>
      %add3A_272 = arith.constant 16380 : i32
      %add3A_273 = vector.broadcast %add3A_272 : i32 to vector<16xi32>
      %add3A_274 = arith.addi %add3A_269, %add3A_273 : vector<16xi32>
      %and3A_275 = arith.constant 16383 : i32
      %and3A_276 = vector.broadcast %and3A_275 : i32 to vector<16xi32>
      %and3A_277 = arith.andi %add3A_274, %and3A_276 : vector<16xi32>
      %broadcast_in_dim3A = arith.constant 39454.5938 : f32
      %broadcast_in_dim3A_278 = vector.broadcast %broadcast_in_dim3A : f32 to vector<16xf32>
      %mul3A_279 = arith.mulf %broadcast_in_dim3A_278, %sub3A_271 : vector<16xf32>
      %add3A_280 = arith.constant 38620.5781 : f32
      %add3A_281 = vector.broadcast %add3A_280 : f32 to vector<16xf32>
      %add3A_282 = arith.addf %mul3A_279, %add3A_281 : vector<16xf32>
      %mul3A_283 = arith.mulf %add3A_282, %sub3A_271 : vector<16xf32>
      %add3A_284 = arith.constant 17088.2676 : f32
      %add3A_285 = vector.broadcast %add3A_284 : f32 to vector<16xf32>
      %add3A_286 = arith.addf %mul3A_283, %add3A_285 : vector<16xf32>
      %mul3A_287 = arith.mulf %add3A_286, %sub3A_271 : vector<16xf32>
      %add3A_288 = arith.constant 2483.5769 : f32
      %add3A_289 = vector.broadcast %add3A_288 : f32 to vector<16xf32>
      %add3A_290 = arith.addf %mul3A_287, %add3A_289 : vector<16xf32>
      %mul3A_291 = arith.mulf %add3A_290, %sub3A_271 : vector<16xf32>
      %add3A_292 = arith.constant 88.899437 : f32
      %add3A_293 = vector.broadcast %add3A_292 : f32 to vector<16xf32>
      %add3A_294 = arith.addf %mul3A_291, %add3A_293 : vector<16xf32>
      %add3A_295 = arith.constant 0 : i32
      %add3A_296 = vector.broadcast %add3A_295 : i32 to vector<16xi32>
      %add3A_297 = arith.addi %and3A_277, %add3A_296 : vector<16xi32>
      %gather3A = tpu.vector_load_idx %arg7[%add3A_297] : memref<16400xf32, #tpu.memory_space<vmem>>[vector<16xi32>], vector<16xf32>,
      %gather3A_298 = tpu.vector_load_idx %arg8[%add3A_297] : memref<16400xf32, #tpu.memory_space<vmem>>[vector<16xi32>], vector<16xf32>,
      %mul3A_299 = arith.mulf %add3A_294, %gather3A : vector<16xf32>
      %mul3A_300 = arith.mulf %add3A_294, %gather3A_298 : vector<16xf32>
      %broadcast_in_dim3A_301 = arith.constant 98740.2265 : f32
      %broadcast_in_dim3A_302 = vector.broadcast %broadcast_in_dim3A_301 : f32 to vector<16xf32>
      %mul3A_303 = arith.mulf %broadcast_in_dim3A_302, %sub3A_271 : vector<16xf32>
      %add3A_304 = arith.constant -235411.938 : f32
      %add3A_305 = vector.broadcast %add3A_304 : f32 to vector<16xf32>
      %add3A_306 = arith.addf %mul3A_303, %add3A_305 : vector<16xf32>
      %mul3A_307 = arith.mulf %add3A_306, %sub3A_271 : vector<16xf32>
      %add3A_308 = arith.constant 133845.719 : f32
      %add3A_309 = vector.broadcast %add3A_308 : f32 to vector<16xf32>
      %add3A_310 = arith.addf %mul3A_307, %add3A_309 : vector<16xf32>
      %mul3A_311 = arith.mulf %add3A_310, %sub3A_271 : vector<16xf32>
      %add3A_312 = arith.constant -81392.5234 : f32
      %add3A_313 = vector.broadcast %add3A_312 : f32 to vector<16xf32>
      %add3A_314 = arith.addf %mul3A_311, %add3A_313 : vector<16xf32>
      %mul3A_315 = arith.mulf %add3A_314, %sub3A_271 : vector<16xf32>
      %add3A_316 = arith.constant 15461.9229 : f32
      %add3A_317 = vector.broadcast %add3A_316 : f32 to vector<16xf32>
      %add3A_318 = arith.addf %mul3A_315, %add3A_317 : vector<16xf32>
      %add3A_319 = arith.constant 1 : i32
      %add3A_320 = vector.broadcast %add3A_319 : i32 to vector<16xi32>
      %add3A_321 = arith.addi %and3A_277, %add3A_320 : vector<16xi32>
      %gather3A_322 = tpu.vector_load_idx %arg7[%add3A_321] : memref<16400xf32, #tpu.memory_space<vmem>>[vector<16xi32>], vector<16xf32>,
      %gather3A_323 = tpu.vector_load_idx %arg8[%add3A_321] : memref<16400xf32, #tpu.memory_space<vmem>>[vector<16xi32>], vector<16xf32>,
      %mul3A_324 = arith.mulf %add3A_318, %gather3A_322 : vector<16xf32>
      %add3A_325 = arith.addf %mul3A_299, %mul3A_324 : vector<16xf32>
      %mul3A_326 = arith.mulf %add3A_318, %gather3A_323 : vector<16xf32>
      %add3A_327 = arith.addf %mul3A_300, %mul3A_326 : vector<16xf32>
      %broadcast_in_dim3A_328 = arith.constant -533028.438 : f32
      %broadcast_in_dim3A_329 = vector.broadcast %broadcast_in_dim3A_328 : f32 to vector<16xf32>
      %mul3A_330 = arith.mulf %broadcast_in_dim3A_329, %sub3A_271 : vector<16xf32>
      %add3A_331 = arith.constant -705232.25 : f32
      %add3A_332 = vector.broadcast %add3A_331 : f32 to vector<16xf32>
      %add3A_333 = arith.addf %mul3A_330, %add3A_332 : vector<16xf32>
      %mul3A_334 = arith.mulf %add3A_333, %sub3A_271 : vector<16xf32>
      %add3A_335 = arith.constant 1277971.38 : f32
      %add3A_336 = vector.broadcast %add3A_335 : f32 to vector<16xf32>
      %add3A_337 = arith.addf %mul3A_334, %add3A_336 : vector<16xf32>
      %mul3A_338 = arith.mulf %add3A_337, %sub3A_271 : vector<16xf32>
      %add3A_339 = arith.constant -1453845.5 : f32
      %add3A_340 = vector.broadcast %add3A_339 : f32 to vector<16xf32>
      %add3A_341 = arith.addf %mul3A_338, %add3A_340 : vector<16xf32>
      %mul3A_342 = arith.mulf %add3A_341, %sub3A_271 : vector<16xf32>
      %add3A_343 = arith.constant 5.642270e+05 : f32
      %add3A_344 = vector.broadcast %add3A_343 : f32 to vector<16xf32>
      %add3A_345 = arith.addf %mul3A_342, %add3A_344 : vector<16xf32>
      %add3A_346 = arith.constant 2 : i32
      %add3A_347 = vector.broadcast %add3A_346 : i32 to vector<16xi32>
      %add3A_348 = arith.addi %and3A_277, %add3A_347 : vector<16xi32>
      %gather3A_349 = tpu.vector_load_idx %arg7[%add3A_348] : memref<16400xf32, #tpu.memory_space<vmem>>[vector<16xi32>], vector<16xf32>,
      %gather3A_350 = tpu.vector_load_idx %arg8[%add3A_348] : memref<16400xf32, #tpu.memory_space<vmem>>[vector<16xi32>], vector<16xf32>,
      %mul3A_351 = arith.mulf %add3A_345, %gather3A_349 : vector<16xf32>
      %add3A_352 = arith.addf %add3A_325, %mul3A_351 : vector<16xf32>
      %mul3A_353 = arith.mulf %add3A_345, %gather3A_350 : vector<16xf32>
      %add3A_354 = arith.addf %add3A_327, %mul3A_353 : vector<16xf32>
      %broadcast_in_dim3A_355 = arith.constant 394819.938 : f32
      %broadcast_in_dim3A_356 = vector.broadcast %broadcast_in_dim3A_355 : f32 to vector<16xf32>
      %mul3A_357 = arith.mulf %broadcast_in_dim3A_356, %sub3A_271 : vector<16xf32>
      %add3A_358 = arith.constant 0x4A037304 : f32
      %add3A_359 = vector.broadcast %add3A_358 : f32 to vector<16xf32>
      %add3A_360 = arith.addf %mul3A_357, %add3A_359 : vector<16xf32>
      %mul3A_361 = arith.mulf %add3A_360, %sub3A_271 : vector<16xf32>
      %add3A_362 = arith.constant 448577.969 : f32
      %add3A_363 = vector.broadcast %add3A_362 : f32 to vector<16xf32>
      %add3A_364 = arith.addf %mul3A_361, %add3A_363 : vector<16xf32>
      %mul3A_365 = arith.mulf %add3A_364, %sub3A_271 : vector<16xf32>
      %add3A_366 = arith.constant -3949402.5 : f32
      %add3A_367 = vector.broadcast %add3A_366 : f32 to vector<16xf32>
      %add3A_368 = arith.addf %mul3A_365, %add3A_367 : vector<16xf32>
      %mul3A_369 = arith.mulf %add3A_368, %sub3A_271 : vector<16xf32>
      %add3A_370 = arith.constant 3469340.75 : f32
      %add3A_371 = vector.broadcast %add3A_370 : f32 to vector<16xf32>
      %add3A_372 = arith.addf %mul3A_369, %add3A_371 : vector<16xf32>
      %add3A_373 = arith.constant 3 : i32
      %add3A_374 = vector.broadcast %add3A_373 : i32 to vector<16xi32>
      %add3A_375 = arith.addi %and3A_277, %add3A_374 : vector<16xi32>
      %gather3A_376 = tpu.vector_load_idx %arg7[%add3A_375] : memref<16400xf32, #tpu.memory_space<vmem>>[vector<16xi32>], vector<16xf32>,
      %gather3A_377 = tpu.vector_load_idx %arg8[%add3A_375] : memref<16400xf32, #tpu.memory_space<vmem>>[vector<16xi32>], vector<16xf32>,
      %mul3A_378 = arith.mulf %add3A_372, %gather3A_376 : vector<16xf32>
      %add3A_379 = arith.addf %add3A_352, %mul3A_378 : vector<16xf32>
      %mul3A_380 = arith.mulf %add3A_372, %gather3A_377 : vector<16xf32>
      %add3A_381 = arith.addf %add3A_354, %mul3A_380 : vector<16xf32>
      %broadcast_in_dim3A_382 = arith.constant 394819.938 : f32
      %broadcast_in_dim3A_383 = vector.broadcast %broadcast_in_dim3A_382 : f32 to vector<16xf32>
      %mul3A_384 = arith.mulf %broadcast_in_dim3A_383, %sub3A_271 : vector<16xf32>
      %add3A_385 = arith.constant -574385.375 : f32
      %add3A_386 = vector.broadcast %add3A_385 : f32 to vector<16xf32>
      %add3A_387 = arith.addf %mul3A_384, %add3A_386 : vector<16xf32>
      %mul3A_388 = arith.mulf %add3A_387, %sub3A_271 : vector<16xf32>
      %add3A_389 = arith.constant -3643497.75 : f32
      %add3A_390 = vector.broadcast %add3A_389 : f32 to vector<16xf32>
      %add3A_391 = arith.addf %mul3A_388, %add3A_390 : vector<16xf32>
      %mul3A_392 = arith.mulf %add3A_391, %sub3A_271 : vector<16xf32>
      %add3A_393 = arith.constant -35157.1211 : f32
      %add3A_394 = vector.broadcast %add3A_393 : f32 to vector<16xf32>
      %add3A_395 = arith.addf %mul3A_392, %add3A_394 : vector<16xf32>
      %mul3A_396 = arith.mulf %add3A_395, %sub3A_271 : vector<16xf32>
      %add3A_397 = arith.constant 0x4ABA6A78 : f32
      %add3A_398 = vector.broadcast %add3A_397 : f32 to vector<16xf32>
      %add3A_399 = arith.addf %mul3A_396, %add3A_398 : vector<16xf32>
      %add3A_400 = arith.constant 4 : i32
      %add3A_401 = vector.broadcast %add3A_400 : i32 to vector<16xi32>
      %add3A_402 = arith.addi %and3A_277, %add3A_401 : vector<16xi32>
      %gather3A_403 = tpu.vector_load_idx %arg7[%add3A_402] : memref<16400xf32, #tpu.memory_space<vmem>>[vector<16xi32>], vector<16xf32>,
      %gather3A_404 = tpu.vector_load_idx %arg8[%add3A_402] : memref<16400xf32, #tpu.memory_space<vmem>>[vector<16xi32>], vector<16xf32>,
      %mul3A_405 = arith.mulf %add3A_399, %gather3A_403 : vector<16xf32>
      %add3A_406 = arith.addf %add3A_379, %mul3A_405 : vector<16xf32>
      %mul3A_407 = arith.mulf %add3A_399, %gather3A_404 : vector<16xf32>
      %add3A_408 = arith.addf %add3A_381, %mul3A_407 : vector<16xf32>
      %broadcast_in_dim3A_409 = arith.constant -533028.438 : f32
      %broadcast_in_dim3A_410 = vector.broadcast %broadcast_in_dim3A_409 : f32 to vector<16xf32>
      %mul3A_411 = arith.mulf %broadcast_in_dim3A_410, %sub3A_271 : vector<16xf32>
      %add3A_412 = arith.constant -1426881.63 : f32
      %add3A_413 = vector.broadcast %add3A_412 : f32 to vector<16xf32>
      %add3A_414 = arith.addf %mul3A_411, %add3A_413 : vector<16xf32>
      %mul3A_415 = arith.mulf %add3A_414, %sub3A_271 : vector<16xf32>
      %add3A_416 = arith.constant 195497.297 : f32
      %add3A_417 = vector.broadcast %add3A_416 : f32 to vector<16xf32>
      %add3A_418 = arith.addf %mul3A_415, %add3A_417 : vector<16xf32>
      %mul3A_419 = arith.mulf %add3A_418, %sub3A_271 : vector<16xf32>
      %add3A_420 = arith.constant 0x4A73BC6C : f32
      %add3A_421 = vector.broadcast %add3A_420 : f32 to vector<16xf32>
      %add3A_422 = arith.addf %mul3A_419, %add3A_421 : vector<16xf32>
      %mul3A_423 = arith.mulf %add3A_422, %sub3A_271 : vector<16xf32>
      %add3A_424 = arith.constant 3468247.75 : f32
      %add3A_425 = vector.broadcast %add3A_424 : f32 to vector<16xf32>
      %add3A_426 = arith.addf %mul3A_423, %add3A_425 : vector<16xf32>
      %add3A_427 = arith.constant 5 : i32
      %add3A_428 = vector.broadcast %add3A_427 : i32 to vector<16xi32>
      %add3A_429 = arith.addi %and3A_277, %add3A_428 : vector<16xi32>
      %gather3A_430 = tpu.vector_load_idx %arg7[%add3A_429] : memref<16400xf32, #tpu.memory_space<vmem>>[vector<16xi32>], vector<16xf32>,
      %gather3A_431 = tpu.vector_load_idx %arg8[%add3A_429] : memref<16400xf32, #tpu.memory_space<vmem>>[vector<16xi32>], vector<16xf32>,
      %mul3A_432 = arith.mulf %add3A_426, %gather3A_430 : vector<16xf32>
      %add3A_433 = arith.addf %add3A_406, %mul3A_432 : vector<16xf32>
      %mul3A_434 = arith.mulf %add3A_426, %gather3A_431 : vector<16xf32>
      %add3A_435 = arith.addf %add3A_408, %mul3A_434 : vector<16xf32>
      %broadcast_in_dim3A_436 = arith.constant 98740.2265 : f32
      %broadcast_in_dim3A_437 = vector.broadcast %broadcast_in_dim3A_436 : f32 to vector<16xf32>
      %mul3A_438 = arith.mulf %broadcast_in_dim3A_437, %sub3A_271 : vector<16xf32>
      %add3A_439 = arith.constant 630372.875 : f32
      %add3A_440 = vector.broadcast %add3A_439 : f32 to vector<16xf32>
      %add3A_441 = arith.addf %mul3A_438, %add3A_440 : vector<16xf32>
      %mul3A_442 = arith.mulf %add3A_441, %sub3A_271 : vector<16xf32>
      %add3A_443 = arith.constant 1432522.88 : f32
      %add3A_444 = vector.broadcast %add3A_443 : f32 to vector<16xf32>
      %add3A_445 = arith.addf %mul3A_442, %add3A_444 : vector<16xf32>
      %mul3A_446 = arith.mulf %add3A_445, %sub3A_271 : vector<16xf32>
      %add3A_447 = arith.constant 1450280.63 : f32
      %add3A_448 = vector.broadcast %add3A_447 : f32 to vector<16xf32>
      %add3A_449 = arith.addf %mul3A_446, %add3A_448 : vector<16xf32>
      %mul3A_450 = arith.mulf %add3A_449, %sub3A_271 : vector<16xf32>
      %add3A_451 = arith.constant 564852.313 : f32
      %add3A_452 = vector.broadcast %add3A_451 : f32 to vector<16xf32>
      %add3A_453 = arith.addf %mul3A_450, %add3A_452 : vector<16xf32>
      %add3A_454 = arith.constant 6 : i32
      %add3A_455 = vector.broadcast %add3A_454 : i32 to vector<16xi32>
      %add3A_456 = arith.addi %and3A_277, %add3A_455 : vector<16xi32>
      %gather3A_457 = tpu.vector_load_idx %arg7[%add3A_456] : memref<16400xf32, #tpu.memory_space<vmem>>[vector<16xi32>], vector<16xf32>,
      %gather3A_458 = tpu.vector_load_idx %arg8[%add3A_456] : memref<16400xf32, #tpu.memory_space<vmem>>[vector<16xi32>], vector<16xf32>,
      %mul3A_459 = arith.mulf %add3A_453, %gather3A_457 : vector<16xf32>
      %add3A_460 = arith.addf %add3A_433, %mul3A_459 : vector<16xf32>
      %mul3A_461 = arith.mulf %add3A_453, %gather3A_458 : vector<16xf32>
      %add3A_462 = arith.addf %add3A_435, %mul3A_461 : vector<16xf32>
      %broadcast_in_dim3A_463 = arith.constant 39454.5938 : f32
      %broadcast_in_dim3A_464 = vector.broadcast %broadcast_in_dim3A_463 : f32 to vector<16xf32>
      %mul3A_465 = arith.mulf %broadcast_in_dim3A_464, %sub3A_271 : vector<16xf32>
      %add3A_466 = arith.constant 119197.797 : f32
      %add3A_467 = vector.broadcast %add3A_466 : f32 to vector<16xf32>
      %add3A_468 = arith.addf %mul3A_465, %add3A_467 : vector<16xf32>
      %mul3A_469 = arith.mulf %add3A_468, %sub3A_271 : vector<16xf32>
      %add3A_470 = arith.constant 137954.094 : f32
      %add3A_471 = vector.broadcast %add3A_470 : f32 to vector<16xf32>
      %add3A_472 = arith.addf %mul3A_469, %add3A_471 : vector<16xf32>
      %mul3A_473 = arith.mulf %add3A_472, %sub3A_271 : vector<16xf32>
      %add3A_474 = arith.constant 7.364960e+04 : f32
      %add3A_475 = vector.broadcast %add3A_474 : f32 to vector<16xf32>
      %add3A_476 = arith.addf %mul3A_473, %add3A_475 : vector<16xf32>
      %mul3A_477 = arith.mulf %add3A_476, %sub3A_271 : vector<16xf32>
      %add3A_478 = arith.constant 15527.6055 : f32
      %add3A_479 = vector.broadcast %add3A_478 : f32 to vector<16xf32>
      %add3A_480 = arith.addf %mul3A_477, %add3A_479 : vector<16xf32>
      %add3A_481 = arith.constant 7 : i32
      %add3A_482 = vector.broadcast %add3A_481 : i32 to vector<16xi32>
      %add3A_483 = arith.addi %and3A_277, %add3A_482 : vector<16xi32>
      %gather3A_484 = tpu.vector_load_idx %arg7[%add3A_483] : memref<16400xf32, #tpu.memory_space<vmem>>[vector<16xi32>], vector<16xf32>,
      %gather3A_485 = tpu.vector_load_idx %arg8[%add3A_483] : memref<16400xf32, #tpu.memory_space<vmem>>[vector<16xi32>], vector<16xf32>,
      %mul3A_486 = arith.mulf %add3A_480, %gather3A_484 : vector<16xf32>
      %add3A_487 = arith.addf %add3A_460, %mul3A_486 : vector<16xf32>
      %mul3A_488 = arith.mulf %add3A_480, %gather3A_485 : vector<16xf32>
      %add3A_489 = arith.addf %add3A_462, %mul3A_488 : vector<16xf32>
      %swap3A = arith.index_cast %mul3A_262 : i32 to index
      %swap3A_490 = tpu.vector_load %arg11[%swap3A] {strides = array<i32>} : memref<8192xf32, #tpu.memory_space<vmem>>, vector<16xf32>,
      tpu.vector_store %arg11[%swap3A], %add3A_487 {strides = array<i32>} : memref<8192xf32, #tpu.memory_space<vmem>>, vector<16xf32>,
      %swap3A_491 = arith.index_cast %mul3A_262 : i32 to index
      %swap3A_492 = tpu.vector_load %arg13[%swap3A_491] {strides = array<i32>} : memref<8192xf32, #tpu.memory_space<vmem>>, vector<16xf32>,
      tpu.vector_store %arg13[%swap3A_491], %add3A_489 {strides = array<i32>} : memref<8192xf32, #tpu.memory_space<vmem>>, vector<16xf32>,
    }
    %scan3A_205 = arith.constant 512 : i32
    %dma_start3A_206 = tpu.memref_slice %arg5[%select_n3A, %add3A_179] : memref<16x65536xf32, #tpu.memory_space<hbm>> -> memref<1x8192xf32, #tpu.memory_space<hbm>>
    %dma_start3A_207 = tpu.memref_squeeze %dma_start3A_206 : memref<1x8192xf32, #tpu.memory_space<hbm>> -> memref<8192xf32, #tpu.memory_space<hbm>>
    %dma_start3A_208 = tpu.memref_slice %arg5[%select_n3A, %add3A_179] : memref<16x65536xf32, #tpu.memory_space<hbm>> -> memref<1x8192xf32, #tpu.memory_space<hbm>>
    %dma_start3A_209 = tpu.memref_squeeze %dma_start3A_208 : memref<1x8192xf32, #tpu.memory_space<hbm>> -> memref<8192xf32, #tpu.memory_space<hbm>>
    tpu.enqueue_dma source(%arg11 : memref<8192xf32, #tpu.memory_space<vmem>>) target(%dma_start3A_209 : memref<8192xf32, #tpu.memory_space<hbm>>) target_semaphore(%arg19 : memref<!tpu.dma_semaphore, #tpu.memory_space<semaphore_mem>>)
    %dma_start3A_210 = tpu.memref_slice %arg6[%select_n3A, %add3A_179] : memref<16x65536xf32, #tpu.memory_space<hbm>> -> memref<1x8192xf32, #tpu.memory_space<hbm>>
    %dma_start3A_211 = tpu.memref_squeeze %dma_start3A_210 : memref<1x8192xf32, #tpu.memory_space<hbm>> -> memref<8192xf32, #tpu.memory_space<hbm>>
    %dma_start3A_212 = tpu.memref_slice %arg6[%select_n3A, %add3A_179] : memref<16x65536xf32, #tpu.memory_space<hbm>> -> memref<1x8192xf32, #tpu.memory_space<hbm>>
    %dma_start3A_213 = tpu.memref_squeeze %dma_start3A_212 : memref<1x8192xf32, #tpu.memory_space<hbm>> -> memref<8192xf32, #tpu.memory_space<hbm>>
    tpu.enqueue_dma source(%arg13 : memref<8192xf32, #tpu.memory_space<vmem>>) target(%dma_start3A_213 : memref<8192xf32, #tpu.memory_space<hbm>>) target_semaphore(%arg19 : memref<!tpu.dma_semaphore, #tpu.memory_space<semaphore_mem>>)
    %mul3A_214 = arith.constant 32768 : i32
    %mul3A_215 = arith.muli %select_n3A_30, %mul3A_214 : i32
    %add3A_216 = arith.constant 24576 : i32
    %add3A_217 = arith.addi %mul3A_215, %add3A_216 : i32
    %dma_wait3A_218 = tpu.memref_slice %arg2[%select_n3A, %add3A_187] : memref<16x65536xf32, #tpu.memory_space<hbm>> -> memref<1x8192xf32, #tpu.memory_space<hbm>>
    %dma_wait3A_219 = tpu.memref_squeeze %dma_wait3A_218 : memref<1x8192xf32, #tpu.memory_space<hbm>> -> memref<8192xf32, #tpu.memory_space<hbm>>
    %dma_wait3A_220 = tpu.memref_slice %arg2[%select_n3A, %add3A_187] : memref<16x65536xf32, #tpu.memory_space<hbm>> -> memref<1x8192xf32, #tpu.memory_space<hbm>>
    %dma_wait3A_221 = tpu.memref_squeeze %dma_wait3A_220 : memref<1x8192xf32, #tpu.memory_space<hbm>> -> memref<8192xf32, #tpu.memory_space<hbm>>
    tpu.wait_dma2 semaphore(%arg18 : memref<!tpu.dma_semaphore, #tpu.memory_space<semaphore_mem>>) src(%dma_wait3A_221 : memref<8192xf32, #tpu.memory_space<hbm>>) dst(%arg10 : memref<8192xf32, #tpu.memory_space<vmem>>)
    %dma_wait3A_222 = tpu.memref_slice %arg5[%select_n3A, %add3A_149] : memref<16x65536xf32, #tpu.memory_space<hbm>> -> memref<1x8192xf32, #tpu.memory_space<hbm>>
    %dma_wait3A_223 = tpu.memref_squeeze %dma_wait3A_222 : memref<1x8192xf32, #tpu.memory_space<hbm>> -> memref<8192xf32, #tpu.memory_space<hbm>>
    %dma_wait3A_224 = tpu.memref_slice %arg5[%select_n3A, %add3A_149] : memref<16x65536xf32, #tpu.memory_space<hbm>> -> memref<1x8192xf32, #tpu.memory_space<hbm>>
    %dma_wait3A_225 = tpu.memref_squeeze %dma_wait3A_224 : memref<1x8192xf32, #tpu.memory_space<hbm>> -> memref<8192xf32, #tpu.memory_space<hbm>>
    tpu.wait_dma2 semaphore(%arg20 : memref<!tpu.dma_semaphore, #tpu.memory_space<semaphore_mem>>) src(%arg12 : memref<8192xf32, #tpu.memory_space<vmem>>) dst(%dma_wait3A_225 : memref<8192xf32, #tpu.memory_space<hbm>>)
    %dma_wait3A_226 = tpu.memref_slice %arg6[%select_n3A, %add3A_149] : memref<16x65536xf32, #tpu.memory_space<hbm>> -> memref<1x8192xf32, #tpu.memory_space<hbm>>
    %dma_wait3A_227 = tpu.memref_squeeze %dma_wait3A_226 : memref<1x8192xf32, #tpu.memory_space<hbm>> -> memref<8192xf32, #tpu.memory_space<hbm>>
    %dma_wait3A_228 = tpu.memref_slice %arg6[%select_n3A, %add3A_149] : memref<16x65536xf32, #tpu.memory_space<hbm>> -> memref<1x8192xf32, #tpu.memory_space<hbm>>
    %dma_wait3A_229 = tpu.memref_squeeze %dma_wait3A_228 : memref<1x8192xf32, #tpu.memory_space<hbm>> -> memref<8192xf32, #tpu.memory_space<hbm>>
    tpu.wait_dma2 semaphore(%arg20 : memref<!tpu.dma_semaphore, #tpu.memory_space<semaphore_mem>>) src(%arg14 : memref<8192xf32, #tpu.memory_space<vmem>>) dst(%dma_wait3A_229 : memref<8192xf32, #tpu.memory_space<hbm>>)
    %scan3A_230 = arith.constant 0 : i32
    %scan3A_231 = arith.constant 0 : i32
    %scan3A_232 = arith.constant 512 : i32
    %scan3A_233 = arith.addi %scan3A_231, %scan3A_232 : i32
    %scan3A_234 = arith.constant 1 : i32
    scf.for %scan3A_260 = %scan3A_231 to %scan3A_233 step %scan3A_234  : i32 {
      %mul3A_261 = arith.constant 16 : i32
      %mul3A_262 = arith.muli %scan3A_260, %mul3A_261 : i32
      %get3A = arith.index_cast %mul3A_262 : i32 to index
      %get3A_263 = tpu.vector_load %arg10[%get3A] {strides = array<i32>} : memref<8192xf32, #tpu.memory_space<vmem>>, vector<16xf32>,
      %mul3A_264 = arith.constant 1.638400e+04 : f32
      %mul3A_265 = vector.broadcast %mul3A_264 : f32 to vector<16xf32>
      %mul3A_266 = arith.mulf %get3A_263, %mul3A_265 : vector<16xf32>
      %convert_element_type3A = arith.fptosi %mul3A_266 : vector<16xf32> to vector<16xi32>
      %convert_element_type3A_267 = arith.sitofp %convert_element_type3A : vector<16xi32> to vector<16xf32>
      %gt3A = arith.cmpf ogt, %mul3A_266, %convert_element_type3A_267 : vector<16xf32>
      %convert_element_type3A_268 = arith.extui %gt3A : vector<16xi1> to vector<16xi32>
      %add3A_269 = arith.addi %convert_element_type3A, %convert_element_type3A_268 : vector<16xi32>
      %convert_element_type3A_270 = arith.sitofp %add3A_269 : vector<16xi32> to vector<16xf32>
      %sub3A_271 = arith.subf %mul3A_266, %convert_element_type3A_270 : vector<16xf32>
      %add3A_272 = arith.constant 16380 : i32
      %add3A_273 = vector.broadcast %add3A_272 : i32 to vector<16xi32>
      %add3A_274 = arith.addi %add3A_269, %add3A_273 : vector<16xi32>
      %and3A_275 = arith.constant 16383 : i32
      %and3A_276 = vector.broadcast %and3A_275 : i32 to vector<16xi32>
      %and3A_277 = arith.andi %add3A_274, %and3A_276 : vector<16xi32>
      %broadcast_in_dim3A = arith.constant 39454.5938 : f32
      %broadcast_in_dim3A_278 = vector.broadcast %broadcast_in_dim3A : f32 to vector<16xf32>
      %mul3A_279 = arith.mulf %broadcast_in_dim3A_278, %sub3A_271 : vector<16xf32>
      %add3A_280 = arith.constant 38620.5781 : f32
      %add3A_281 = vector.broadcast %add3A_280 : f32 to vector<16xf32>
      %add3A_282 = arith.addf %mul3A_279, %add3A_281 : vector<16xf32>
      %mul3A_283 = arith.mulf %add3A_282, %sub3A_271 : vector<16xf32>
      %add3A_284 = arith.constant 17088.2676 : f32
      %add3A_285 = vector.broadcast %add3A_284 : f32 to vector<16xf32>
      %add3A_286 = arith.addf %mul3A_283, %add3A_285 : vector<16xf32>
      %mul3A_287 = arith.mulf %add3A_286, %sub3A_271 : vector<16xf32>
      %add3A_288 = arith.constant 2483.5769 : f32
      %add3A_289 = vector.broadcast %add3A_288 : f32 to vector<16xf32>
      %add3A_290 = arith.addf %mul3A_287, %add3A_289 : vector<16xf32>
      %mul3A_291 = arith.mulf %add3A_290, %sub3A_271 : vector<16xf32>
      %add3A_292 = arith.constant 88.899437 : f32
      %add3A_293 = vector.broadcast %add3A_292 : f32 to vector<16xf32>
      %add3A_294 = arith.addf %mul3A_291, %add3A_293 : vector<16xf32>
      %add3A_295 = arith.constant 0 : i32
      %add3A_296 = vector.broadcast %add3A_295 : i32 to vector<16xi32>
      %add3A_297 = arith.addi %and3A_277, %add3A_296 : vector<16xi32>
      %gather3A = tpu.vector_load_idx %arg7[%add3A_297] : memref<16400xf32, #tpu.memory_space<vmem>>[vector<16xi32>], vector<16xf32>,
      %gather3A_298 = tpu.vector_load_idx %arg8[%add3A_297] : memref<16400xf32, #tpu.memory_space<vmem>>[vector<16xi32>], vector<16xf32>,
      %mul3A_299 = arith.mulf %add3A_294, %gather3A : vector<16xf32>
      %mul3A_300 = arith.mulf %add3A_294, %gather3A_298 : vector<16xf32>
      %broadcast_in_dim3A_301 = arith.constant 98740.2265 : f32
      %broadcast_in_dim3A_302 = vector.broadcast %broadcast_in_dim3A_301 : f32 to vector<16xf32>
      %mul3A_303 = arith.mulf %broadcast_in_dim3A_302, %sub3A_271 : vector<16xf32>
      %add3A_304 = arith.constant -235411.938 : f32
      %add3A_305 = vector.broadcast %add3A_304 : f32 to vector<16xf32>
      %add3A_306 = arith.addf %mul3A_303, %add3A_305 : vector<16xf32>
      %mul3A_307 = arith.mulf %add3A_306, %sub3A_271 : vector<16xf32>
      %add3A_308 = arith.constant 133845.719 : f32
      %add3A_309 = vector.broadcast %add3A_308 : f32 to vector<16xf32>
      %add3A_310 = arith.addf %mul3A_307, %add3A_309 : vector<16xf32>
      %mul3A_311 = arith.mulf %add3A_310, %sub3A_271 : vector<16xf32>
      %add3A_312 = arith.constant -81392.5234 : f32
      %add3A_313 = vector.broadcast %add3A_312 : f32 to vector<16xf32>
      %add3A_314 = arith.addf %mul3A_311, %add3A_313 : vector<16xf32>
      %mul3A_315 = arith.mulf %add3A_314, %sub3A_271 : vector<16xf32>
      %add3A_316 = arith.constant 15461.9229 : f32
      %add3A_317 = vector.broadcast %add3A_316 : f32 to vector<16xf32>
      %add3A_318 = arith.addf %mul3A_315, %add3A_317 : vector<16xf32>
      %add3A_319 = arith.constant 1 : i32
      %add3A_320 = vector.broadcast %add3A_319 : i32 to vector<16xi32>
      %add3A_321 = arith.addi %and3A_277, %add3A_320 : vector<16xi32>
      %gather3A_322 = tpu.vector_load_idx %arg7[%add3A_321] : memref<16400xf32, #tpu.memory_space<vmem>>[vector<16xi32>], vector<16xf32>,
      %gather3A_323 = tpu.vector_load_idx %arg8[%add3A_321] : memref<16400xf32, #tpu.memory_space<vmem>>[vector<16xi32>], vector<16xf32>,
      %mul3A_324 = arith.mulf %add3A_318, %gather3A_322 : vector<16xf32>
      %add3A_325 = arith.addf %mul3A_299, %mul3A_324 : vector<16xf32>
      %mul3A_326 = arith.mulf %add3A_318, %gather3A_323 : vector<16xf32>
      %add3A_327 = arith.addf %mul3A_300, %mul3A_326 : vector<16xf32>
      %broadcast_in_dim3A_328 = arith.constant -533028.438 : f32
      %broadcast_in_dim3A_329 = vector.broadcast %broadcast_in_dim3A_328 : f32 to vector<16xf32>
      %mul3A_330 = arith.mulf %broadcast_in_dim3A_329, %sub3A_271 : vector<16xf32>
      %add3A_331 = arith.constant -705232.25 : f32
      %add3A_332 = vector.broadcast %add3A_331 : f32 to vector<16xf32>
      %add3A_333 = arith.addf %mul3A_330, %add3A_332 : vector<16xf32>
      %mul3A_334 = arith.mulf %add3A_333, %sub3A_271 : vector<16xf32>
      %add3A_335 = arith.constant 1277971.38 : f32
      %add3A_336 = vector.broadcast %add3A_335 : f32 to vector<16xf32>
      %add3A_337 = arith.addf %mul3A_334, %add3A_336 : vector<16xf32>
      %mul3A_338 = arith.mulf %add3A_337, %sub3A_271 : vector<16xf32>
      %add3A_339 = arith.constant -1453845.5 : f32
      %add3A_340 = vector.broadcast %add3A_339 : f32 to vector<16xf32>
      %add3A_341 = arith.addf %mul3A_338, %add3A_340 : vector<16xf32>
      %mul3A_342 = arith.mulf %add3A_341, %sub3A_271 : vector<16xf32>
      %add3A_343 = arith.constant 5.642270e+05 : f32
      %add3A_344 = vector.broadcast %add3A_343 : f32 to vector<16xf32>
      %add3A_345 = arith.addf %mul3A_342, %add3A_344 : vector<16xf32>
      %add3A_346 = arith.constant 2 : i32
      %add3A_347 = vector.broadcast %add3A_346 : i32 to vector<16xi32>
      %add3A_348 = arith.addi %and3A_277, %add3A_347 : vector<16xi32>
      %gather3A_349 = tpu.vector_load_idx %arg7[%add3A_348] : memref<16400xf32, #tpu.memory_space<vmem>>[vector<16xi32>], vector<16xf32>,
      %gather3A_350 = tpu.vector_load_idx %arg8[%add3A_348] : memref<16400xf32, #tpu.memory_space<vmem>>[vector<16xi32>], vector<16xf32>,
      %mul3A_351 = arith.mulf %add3A_345, %gather3A_349 : vector<16xf32>
      %add3A_352 = arith.addf %add3A_325, %mul3A_351 : vector<16xf32>
      %mul3A_353 = arith.mulf %add3A_345, %gather3A_350 : vector<16xf32>
      %add3A_354 = arith.addf %add3A_327, %mul3A_353 : vector<16xf32>
      %broadcast_in_dim3A_355 = arith.constant 394819.938 : f32
      %broadcast_in_dim3A_356 = vector.broadcast %broadcast_in_dim3A_355 : f32 to vector<16xf32>
      %mul3A_357 = arith.mulf %broadcast_in_dim3A_356, %sub3A_271 : vector<16xf32>
      %add3A_358 = arith.constant 0x4A037304 : f32
      %add3A_359 = vector.broadcast %add3A_358 : f32 to vector<16xf32>
      %add3A_360 = arith.addf %mul3A_357, %add3A_359 : vector<16xf32>
      %mul3A_361 = arith.mulf %add3A_360, %sub3A_271 : vector<16xf32>
      %add3A_362 = arith.constant 448577.969 : f32
      %add3A_363 = vector.broadcast %add3A_362 : f32 to vector<16xf32>
      %add3A_364 = arith.addf %mul3A_361, %add3A_363 : vector<16xf32>
      %mul3A_365 = arith.mulf %add3A_364, %sub3A_271 : vector<16xf32>
      %add3A_366 = arith.constant -3949402.5 : f32
      %add3A_367 = vector.broadcast %add3A_366 : f32 to vector<16xf32>
      %add3A_368 = arith.addf %mul3A_365, %add3A_367 : vector<16xf32>
      %mul3A_369 = arith.mulf %add3A_368, %sub3A_271 : vector<16xf32>
      %add3A_370 = arith.constant 3469340.75 : f32
      %add3A_371 = vector.broadcast %add3A_370 : f32 to vector<16xf32>
      %add3A_372 = arith.addf %mul3A_369, %add3A_371 : vector<16xf32>
      %add3A_373 = arith.constant 3 : i32
      %add3A_374 = vector.broadcast %add3A_373 : i32 to vector<16xi32>
      %add3A_375 = arith.addi %and3A_277, %add3A_374 : vector<16xi32>
      %gather3A_376 = tpu.vector_load_idx %arg7[%add3A_375] : memref<16400xf32, #tpu.memory_space<vmem>>[vector<16xi32>], vector<16xf32>,
      %gather3A_377 = tpu.vector_load_idx %arg8[%add3A_375] : memref<16400xf32, #tpu.memory_space<vmem>>[vector<16xi32>], vector<16xf32>,
      %mul3A_378 = arith.mulf %add3A_372, %gather3A_376 : vector<16xf32>
      %add3A_379 = arith.addf %add3A_352, %mul3A_378 : vector<16xf32>
      %mul3A_380 = arith.mulf %add3A_372, %gather3A_377 : vector<16xf32>
      %add3A_381 = arith.addf %add3A_354, %mul3A_380 : vector<16xf32>
      %broadcast_in_dim3A_382 = arith.constant 394819.938 : f32
      %broadcast_in_dim3A_383 = vector.broadcast %broadcast_in_dim3A_382 : f32 to vector<16xf32>
      %mul3A_384 = arith.mulf %broadcast_in_dim3A_383, %sub3A_271 : vector<16xf32>
      %add3A_385 = arith.constant -574385.375 : f32
      %add3A_386 = vector.broadcast %add3A_385 : f32 to vector<16xf32>
      %add3A_387 = arith.addf %mul3A_384, %add3A_386 : vector<16xf32>
      %mul3A_388 = arith.mulf %add3A_387, %sub3A_271 : vector<16xf32>
      %add3A_389 = arith.constant -3643497.75 : f32
      %add3A_390 = vector.broadcast %add3A_389 : f32 to vector<16xf32>
      %add3A_391 = arith.addf %mul3A_388, %add3A_390 : vector<16xf32>
      %mul3A_392 = arith.mulf %add3A_391, %sub3A_271 : vector<16xf32>
      %add3A_393 = arith.constant -35157.1211 : f32
      %add3A_394 = vector.broadcast %add3A_393 : f32 to vector<16xf32>
      %add3A_395 = arith.addf %mul3A_392, %add3A_394 : vector<16xf32>
      %mul3A_396 = arith.mulf %add3A_395, %sub3A_271 : vector<16xf32>
      %add3A_397 = arith.constant 0x4ABA6A78 : f32
      %add3A_398 = vector.broadcast %add3A_397 : f32 to vector<16xf32>
      %add3A_399 = arith.addf %mul3A_396, %add3A_398 : vector<16xf32>
      %add3A_400 = arith.constant 4 : i32
      %add3A_401 = vector.broadcast %add3A_400 : i32 to vector<16xi32>
      %add3A_402 = arith.addi %and3A_277, %add3A_401 : vector<16xi32>
      %gather3A_403 = tpu.vector_load_idx %arg7[%add3A_402] : memref<16400xf32, #tpu.memory_space<vmem>>[vector<16xi32>], vector<16xf32>,
      %gather3A_404 = tpu.vector_load_idx %arg8[%add3A_402] : memref<16400xf32, #tpu.memory_space<vmem>>[vector<16xi32>], vector<16xf32>,
      %mul3A_405 = arith.mulf %add3A_399, %gather3A_403 : vector<16xf32>
      %add3A_406 = arith.addf %add3A_379, %mul3A_405 : vector<16xf32>
      %mul3A_407 = arith.mulf %add3A_399, %gather3A_404 : vector<16xf32>
      %add3A_408 = arith.addf %add3A_381, %mul3A_407 : vector<16xf32>
      %broadcast_in_dim3A_409 = arith.constant -533028.438 : f32
      %broadcast_in_dim3A_410 = vector.broadcast %broadcast_in_dim3A_409 : f32 to vector<16xf32>
      %mul3A_411 = arith.mulf %broadcast_in_dim3A_410, %sub3A_271 : vector<16xf32>
      %add3A_412 = arith.constant -1426881.63 : f32
      %add3A_413 = vector.broadcast %add3A_412 : f32 to vector<16xf32>
      %add3A_414 = arith.addf %mul3A_411, %add3A_413 : vector<16xf32>
      %mul3A_415 = arith.mulf %add3A_414, %sub3A_271 : vector<16xf32>
      %add3A_416 = arith.constant 195497.297 : f32
      %add3A_417 = vector.broadcast %add3A_416 : f32 to vector<16xf32>
      %add3A_418 = arith.addf %mul3A_415, %add3A_417 : vector<16xf32>
      %mul3A_419 = arith.mulf %add3A_418, %sub3A_271 : vector<16xf32>
      %add3A_420 = arith.constant 0x4A73BC6C : f32
      %add3A_421 = vector.broadcast %add3A_420 : f32 to vector<16xf32>
      %add3A_422 = arith.addf %mul3A_419, %add3A_421 : vector<16xf32>
      %mul3A_423 = arith.mulf %add3A_422, %sub3A_271 : vector<16xf32>
      %add3A_424 = arith.constant 3468247.75 : f32
      %add3A_425 = vector.broadcast %add3A_424 : f32 to vector<16xf32>
      %add3A_426 = arith.addf %mul3A_423, %add3A_425 : vector<16xf32>
      %add3A_427 = arith.constant 5 : i32
      %add3A_428 = vector.broadcast %add3A_427 : i32 to vector<16xi32>
      %add3A_429 = arith.addi %and3A_277, %add3A_428 : vector<16xi32>
      %gather3A_430 = tpu.vector_load_idx %arg7[%add3A_429] : memref<16400xf32, #tpu.memory_space<vmem>>[vector<16xi32>], vector<16xf32>,
      %gather3A_431 = tpu.vector_load_idx %arg8[%add3A_429] : memref<16400xf32, #tpu.memory_space<vmem>>[vector<16xi32>], vector<16xf32>,
      %mul3A_432 = arith.mulf %add3A_426, %gather3A_430 : vector<16xf32>
      %add3A_433 = arith.addf %add3A_406, %mul3A_432 : vector<16xf32>
      %mul3A_434 = arith.mulf %add3A_426, %gather3A_431 : vector<16xf32>
      %add3A_435 = arith.addf %add3A_408, %mul3A_434 : vector<16xf32>
      %broadcast_in_dim3A_436 = arith.constant 98740.2265 : f32
      %broadcast_in_dim3A_437 = vector.broadcast %broadcast_in_dim3A_436 : f32 to vector<16xf32>
      %mul3A_438 = arith.mulf %broadcast_in_dim3A_437, %sub3A_271 : vector<16xf32>
      %add3A_439 = arith.constant 630372.875 : f32
      %add3A_440 = vector.broadcast %add3A_439 : f32 to vector<16xf32>
      %add3A_441 = arith.addf %mul3A_438, %add3A_440 : vector<16xf32>
      %mul3A_442 = arith.mulf %add3A_441, %sub3A_271 : vector<16xf32>
      %add3A_443 = arith.constant 1432522.88 : f32
      %add3A_444 = vector.broadcast %add3A_443 : f32 to vector<16xf32>
      %add3A_445 = arith.addf %mul3A_442, %add3A_444 : vector<16xf32>
      %mul3A_446 = arith.mulf %add3A_445, %sub3A_271 : vector<16xf32>
      %add3A_447 = arith.constant 1450280.63 : f32
      %add3A_448 = vector.broadcast %add3A_447 : f32 to vector<16xf32>
      %add3A_449 = arith.addf %mul3A_446, %add3A_448 : vector<16xf32>
      %mul3A_450 = arith.mulf %add3A_449, %sub3A_271 : vector<16xf32>
      %add3A_451 = arith.constant 564852.313 : f32
      %add3A_452 = vector.broadcast %add3A_451 : f32 to vector<16xf32>
      %add3A_453 = arith.addf %mul3A_450, %add3A_452 : vector<16xf32>
      %add3A_454 = arith.constant 6 : i32
      %add3A_455 = vector.broadcast %add3A_454 : i32 to vector<16xi32>
      %add3A_456 = arith.addi %and3A_277, %add3A_455 : vector<16xi32>
      %gather3A_457 = tpu.vector_load_idx %arg7[%add3A_456] : memref<16400xf32, #tpu.memory_space<vmem>>[vector<16xi32>], vector<16xf32>,
      %gather3A_458 = tpu.vector_load_idx %arg8[%add3A_456] : memref<16400xf32, #tpu.memory_space<vmem>>[vector<16xi32>], vector<16xf32>,
      %mul3A_459 = arith.mulf %add3A_453, %gather3A_457 : vector<16xf32>
      %add3A_460 = arith.addf %add3A_433, %mul3A_459 : vector<16xf32>
      %mul3A_461 = arith.mulf %add3A_453, %gather3A_458 : vector<16xf32>
      %add3A_462 = arith.addf %add3A_435, %mul3A_461 : vector<16xf32>
      %broadcast_in_dim3A_463 = arith.constant 39454.5938 : f32
      %broadcast_in_dim3A_464 = vector.broadcast %broadcast_in_dim3A_463 : f32 to vector<16xf32>
      %mul3A_465 = arith.mulf %broadcast_in_dim3A_464, %sub3A_271 : vector<16xf32>
      %add3A_466 = arith.constant 119197.797 : f32
      %add3A_467 = vector.broadcast %add3A_466 : f32 to vector<16xf32>
      %add3A_468 = arith.addf %mul3A_465, %add3A_467 : vector<16xf32>
      %mul3A_469 = arith.mulf %add3A_468, %sub3A_271 : vector<16xf32>
      %add3A_470 = arith.constant 137954.094 : f32
      %add3A_471 = vector.broadcast %add3A_470 : f32 to vector<16xf32>
      %add3A_472 = arith.addf %mul3A_469, %add3A_471 : vector<16xf32>
      %mul3A_473 = arith.mulf %add3A_472, %sub3A_271 : vector<16xf32>
      %add3A_474 = arith.constant 7.364960e+04 : f32
      %add3A_475 = vector.broadcast %add3A_474 : f32 to vector<16xf32>
      %add3A_476 = arith.addf %mul3A_473, %add3A_475 : vector<16xf32>
      %mul3A_477 = arith.mulf %add3A_476, %sub3A_271 : vector<16xf32>
      %add3A_478 = arith.constant 15527.6055 : f32
      %add3A_479 = vector.broadcast %add3A_478 : f32 to vector<16xf32>
      %add3A_480 = arith.addf %mul3A_477, %add3A_479 : vector<16xf32>
      %add3A_481 = arith.constant 7 : i32
      %add3A_482 = vector.broadcast %add3A_481 : i32 to vector<16xi32>
      %add3A_483 = arith.addi %and3A_277, %add3A_482 : vector<16xi32>
      %gather3A_484 = tpu.vector_load_idx %arg7[%add3A_483] : memref<16400xf32, #tpu.memory_space<vmem>>[vector<16xi32>], vector<16xf32>,
      %gather3A_485 = tpu.vector_load_idx %arg8[%add3A_483] : memref<16400xf32, #tpu.memory_space<vmem>>[vector<16xi32>], vector<16xf32>,
      %mul3A_486 = arith.mulf %add3A_480, %gather3A_484 : vector<16xf32>
      %add3A_487 = arith.addf %add3A_460, %mul3A_486 : vector<16xf32>
      %mul3A_488 = arith.mulf %add3A_480, %gather3A_485 : vector<16xf32>
      %add3A_489 = arith.addf %add3A_462, %mul3A_488 : vector<16xf32>
      %swap3A = arith.index_cast %mul3A_262 : i32 to index
      %swap3A_490 = tpu.vector_load %arg12[%swap3A] {strides = array<i32>} : memref<8192xf32, #tpu.memory_space<vmem>>, vector<16xf32>,
      tpu.vector_store %arg12[%swap3A], %add3A_487 {strides = array<i32>} : memref<8192xf32, #tpu.memory_space<vmem>>, vector<16xf32>,
      %swap3A_491 = arith.index_cast %mul3A_262 : i32 to index
      %swap3A_492 = tpu.vector_load %arg14[%swap3A_491] {strides = array<i32>} : memref<8192xf32, #tpu.memory_space<vmem>>, vector<16xf32>,
      tpu.vector_store %arg14[%swap3A_491], %add3A_489 {strides = array<i32>} : memref<8192xf32, #tpu.memory_space<vmem>>, vector<16xf32>,
    }
    %scan3A_235 = arith.constant 512 : i32
    %dma_start3A_236 = tpu.memref_slice %arg5[%select_n3A, %add3A_217] : memref<16x65536xf32, #tpu.memory_space<hbm>> -> memref<1x8192xf32, #tpu.memory_space<hbm>>
    %dma_start3A_237 = tpu.memref_squeeze %dma_start3A_236 : memref<1x8192xf32, #tpu.memory_space<hbm>> -> memref<8192xf32, #tpu.memory_space<hbm>>
    %dma_start3A_238 = tpu.memref_slice %arg5[%select_n3A, %add3A_217] : memref<16x65536xf32, #tpu.memory_space<hbm>> -> memref<1x8192xf32, #tpu.memory_space<hbm>>
    %dma_start3A_239 = tpu.memref_squeeze %dma_start3A_238 : memref<1x8192xf32, #tpu.memory_space<hbm>> -> memref<8192xf32, #tpu.memory_space<hbm>>
    tpu.enqueue_dma source(%arg12 : memref<8192xf32, #tpu.memory_space<vmem>>) target(%dma_start3A_239 : memref<8192xf32, #tpu.memory_space<hbm>>) target_semaphore(%arg20 : memref<!tpu.dma_semaphore, #tpu.memory_space<semaphore_mem>>)
    %dma_start3A_240 = tpu.memref_slice %arg6[%select_n3A, %add3A_217] : memref<16x65536xf32, #tpu.memory_space<hbm>> -> memref<1x8192xf32, #tpu.memory_space<hbm>>
    %dma_start3A_241 = tpu.memref_squeeze %dma_start3A_240 : memref<1x8192xf32, #tpu.memory_space<hbm>> -> memref<8192xf32, #tpu.memory_space<hbm>>
    %dma_start3A_242 = tpu.memref_slice %arg6[%select_n3A, %add3A_217] : memref<16x65536xf32, #tpu.memory_space<hbm>> -> memref<1x8192xf32, #tpu.memory_space<hbm>>
    %dma_start3A_243 = tpu.memref_squeeze %dma_start3A_242 : memref<1x8192xf32, #tpu.memory_space<hbm>> -> memref<8192xf32, #tpu.memory_space<hbm>>
    tpu.enqueue_dma source(%arg14 : memref<8192xf32, #tpu.memory_space<vmem>>) target(%dma_start3A_243 : memref<8192xf32, #tpu.memory_space<hbm>>) target_semaphore(%arg20 : memref<!tpu.dma_semaphore, #tpu.memory_space<semaphore_mem>>)
    %dma_wait3A_244 = tpu.memref_slice %arg5[%select_n3A, %add3A_179] : memref<16x65536xf32, #tpu.memory_space<hbm>> -> memref<1x8192xf32, #tpu.memory_space<hbm>>
    %dma_wait3A_245 = tpu.memref_squeeze %dma_wait3A_244 : memref<1x8192xf32, #tpu.memory_space<hbm>> -> memref<8192xf32, #tpu.memory_space<hbm>>
    %dma_wait3A_246 = tpu.memref_slice %arg5[%select_n3A, %add3A_179] : memref<16x65536xf32, #tpu.memory_space<hbm>> -> memref<1x8192xf32, #tpu.memory_space<hbm>>
    %dma_wait3A_247 = tpu.memref_squeeze %dma_wait3A_246 : memref<1x8192xf32, #tpu.memory_space<hbm>> -> memref<8192xf32, #tpu.memory_space<hbm>>
    tpu.wait_dma2 semaphore(%arg19 : memref<!tpu.dma_semaphore, #tpu.memory_space<semaphore_mem>>) src(%arg11 : memref<8192xf32, #tpu.memory_space<vmem>>) dst(%dma_wait3A_247 : memref<8192xf32, #tpu.memory_space<hbm>>)
    %dma_wait3A_248 = tpu.memref_slice %arg6[%select_n3A, %add3A_179] : memref<16x65536xf32, #tpu.memory_space<hbm>> -> memref<1x8192xf32, #tpu.memory_space<hbm>>
    %dma_wait3A_249 = tpu.memref_squeeze %dma_wait3A_248 : memref<1x8192xf32, #tpu.memory_space<hbm>> -> memref<8192xf32, #tpu.memory_space<hbm>>
    %dma_wait3A_250 = tpu.memref_slice %arg6[%select_n3A, %add3A_179] : memref<16x65536xf32, #tpu.memory_space<hbm>> -> memref<1x8192xf32, #tpu.memory_space<hbm>>
    %dma_wait3A_251 = tpu.memref_squeeze %dma_wait3A_250 : memref<1x8192xf32, #tpu.memory_space<hbm>> -> memref<8192xf32, #tpu.memory_space<hbm>>
    tpu.wait_dma2 semaphore(%arg19 : memref<!tpu.dma_semaphore, #tpu.memory_space<semaphore_mem>>) src(%arg13 : memref<8192xf32, #tpu.memory_space<vmem>>) dst(%dma_wait3A_251 : memref<8192xf32, #tpu.memory_space<hbm>>)
    %dma_wait3A_252 = tpu.memref_slice %arg5[%select_n3A, %add3A_217] : memref<16x65536xf32, #tpu.memory_space<hbm>> -> memref<1x8192xf32, #tpu.memory_space<hbm>>
    %dma_wait3A_253 = tpu.memref_squeeze %dma_wait3A_252 : memref<1x8192xf32, #tpu.memory_space<hbm>> -> memref<8192xf32, #tpu.memory_space<hbm>>
    %dma_wait3A_254 = tpu.memref_slice %arg5[%select_n3A, %add3A_217] : memref<16x65536xf32, #tpu.memory_space<hbm>> -> memref<1x8192xf32, #tpu.memory_space<hbm>>
    %dma_wait3A_255 = tpu.memref_squeeze %dma_wait3A_254 : memref<1x8192xf32, #tpu.memory_space<hbm>> -> memref<8192xf32, #tpu.memory_space<hbm>>
    tpu.wait_dma2 semaphore(%arg20 : memref<!tpu.dma_semaphore, #tpu.memory_space<semaphore_mem>>) src(%arg12 : memref<8192xf32, #tpu.memory_space<vmem>>) dst(%dma_wait3A_255 : memref<8192xf32, #tpu.memory_space<hbm>>)
    %dma_wait3A_256 = tpu.memref_slice %arg6[%select_n3A, %add3A_217] : memref<16x65536xf32, #tpu.memory_space<hbm>> -> memref<1x8192xf32, #tpu.memory_space<hbm>>
    %dma_wait3A_257 = tpu.memref_squeeze %dma_wait3A_256 : memref<1x8192xf32, #tpu.memory_space<hbm>> -> memref<8192xf32, #tpu.memory_space<hbm>>
    %dma_wait3A_258 = tpu.memref_slice %arg6[%select_n3A, %add3A_217] : memref<16x65536xf32, #tpu.memory_space<hbm>> -> memref<1x8192xf32, #tpu.memory_space<hbm>>
    %dma_wait3A_259 = tpu.memref_squeeze %dma_wait3A_258 : memref<1x8192xf32, #tpu.memory_space<hbm>> -> memref<8192xf32, #tpu.memory_space<hbm>>
    tpu.wait_dma2 semaphore(%arg20 : memref<!tpu.dma_semaphore, #tpu.memory_space<semaphore_mem>>) src(%arg14 : memref<8192xf32, #tpu.memory_space<vmem>>) dst(%dma_wait3A_259 : memref<8192xf32, #tpu.memory_space<hbm>>)
    return
  }
}

</mosaic_0001>

<sc_bundles>
// kernel: kernel.3.cloned.1.call-start
scs
__scs_entry_jumppad:
0x0: {  	(pc) =	sbr.rel $0x88, $3  }
0x1: {  	(tag) =	ssettag $0x0;
	lr =	simm.s32 $0x1  }
0x2: {  	[smem:$0x3F9F] =	sst lr;
	_ =	strace $0xD0000000  }
0x3: {  	_ = 	snop  }
0x4: {  	_ = 	snop  }
0x5: {  	_ = 	snop  }
0x6: {  	_ = 	snop  }
0x7: {  	_ = 	snop  }
__scs_overlays_trampoline_lowered:
0x8: {  	[smem:$0x3FAE] =	sst s0  }
0x9: {  	[smem:$0x3FAF] =	sst s1  }
0xa: {  	[smem:$0x3FB0] =	sst s2  }
0xb: {  	[smem:$0x3FB1] =	sst s3  }
0xc: {  	[smem:$0x3FB2] =	sst s4  }
0xd: {  	[smem:$0x3FB3] =	sst s5  }
0xe: {  	[smem:$0x3FB4] =	sst s6  }
0xf: {  	[smem:$0x3FB5] =	sst s7  }
0x10: {  	[smem:$0x3FB6] =	sst s8  }
0x11: {  	[smem:$0x3FB7] =	sst s9;
	s0 =	simm.s32 @!p0 $0x0  }
0x12: {  	s1 =	sld [smem:$0x3F9D];
	s0 =	simm.s32 @p0 $0x1  }
0x13: {  	[smem:$0x3FB8] =	sst s0;
	s0 =	simm.s32 @!p1 $0x0  }
0x14: {  	s2 =	sld [smem:$0x3F9C];
	s0 =	simm.s32 @p1 $0x1  }
0x15: {  	[smem:$0x3FB9] =	sst s0;
	s0 =	simm.s32 @!p2 $0x0  }
0x16: {  	s3 =	sld [smem:$0x3FDB];
	s0 =	simm.s32 @p2 $0x1  }
0x17: {  	s4 =	simm.s32 $0x1BF5;
	[smem:$0x3FBB] =	sst s0  }
0x18: {  	s0 =	sld [smem:$0x3F9E];
	_ =	swait.ge [sflag:s4], $0x0  }
0x19: {  	s7 =	sld [smem:$0x3F9F]  }
0x1a: {  	s8 =	sadd.s32 $0xFFFFE003, lr  }
0x1b: {  	s9 =	sadd.s32 $0xFFFFFEF7, lr;
	s5 =	simm.s32 $0xFFFFFFFF;
	p2 =	slt.u32 s8, $0xFFFFF086  }
0x1c: {  	p1 =	slt.u32 s9, $0xF7A;
	s5 =	simm.s32 @!p2 $0x0  }
0x1d: {  	s5 =	simm.s32 @p1 $0x1;
	p0 =	seq.s32 s7, s2  }
0x1e: {  	s7 =	smul.u32 @!p0 $0xF7A, s2;
	p2 =	seq.s32 @!p0 s5, $0x0  }
0x1f: {  	s9 =	smul.u32 $0xF7A, s1;
	s8 =	simm.s32 @!p0 $0x1BF5;
	p2 =	por !p2, p0  }
0x20: {  	[sflag:s8] =	ssyncset.s32 @!p0 $0xFFFFF086;
	s6 =	sadd.s32 @!p0 s3, s7;
	s7 =	simm.s32 @!p0 $0x108  }
0x21: {  	s3 =	sadd.s32 s3, s9;
	s6 =	sadd.s32 @!p0 $0x88, s6;
	s7 =	simm.s32 @p2 $0x1082  }
0x22: {  	[simem:s7], [sflag:s8] =	dma.local @!p0 [hbm:s6], $0xF7A  }
0x23: {  	s9 =	sor.u32 $0xD0000000, s2;
	s6 =	simm.s32 $0x108;
	_ =	swait.ge @!p0 [sflag:s8], $0x0  }
0x24: {  	s3 =	sadd.s32 $0x88, s3;
	s6 =	simm.s32 @!p1 $0x1082;
	[sflag:s4] =	ssyncset.s32 $0xFFFFF086  }
0x25: {  	[simem:s6], [sflag:s4] =	dma.local [hbm:s3], $0xF7A  }
0x26: {  	[smem:$0x3F9F] =	sst s1;
	(tag) =	ssettag s2;
	_ =	strace s9  }
0x27: {  	s1 =	sld [smem:$0x3FAF]  }
0x28: {  	s2 =	sld [smem:$0x3FB0]  }
0x29: {  	s4 =	sld [smem:$0x3FB2]  }
0x2a: {  	p0 =	seq.s32 s5, $0x0;
	s5 =	sld [smem:$0x3FB3]  }
0x2b: {  	s6 =	sld [smem:$0x3FB4]  }
0x2c: {  	s7 =	sld [smem:$0x3FB5]  }
0x2d: {  	s3 =	simm.s32 $0x108;
	s8 =	sld [smem:$0x3FB6]  }
0x2e: {  	s3 =	simm.s32 @!p0 $0x1082;
	s9 =	sld [smem:$0x3FB7]  }
0x2f: {  	lr =	sadd.s32 s0, s3;
	s0 =	sld [smem:$0x3FAE]  }
0x30: {  	s3 =	sld [smem:$0x3FB1]  }
0x31: {  	[smem:$0x3FBA] =	sst s10  }
0x32: {  	s10 =	sld [smem:$0x3FB8];
	_ =	sdelay $0x3  }
0x33: {  	p0 =	seq.s32 s10, $0x1;
	s10 =	sld [smem:$0x3FBA];
	_ =	sdelay $0x3  }
0x34: {  	[smem:$0x3FBA] =	sst s10  }
0x35: {  	s10 =	sld [smem:$0x3FB9];
	_ =	sdelay $0x3  }
0x36: {  	p1 =	seq.s32 s10, $0x1;
	s10 =	sld [smem:$0x3FBA];
	_ =	sdelay $0x3  }
0x37: {  	[smem:$0x3FBA] =	sst s10  }
0x38: {  	s10 =	sld [smem:$0x3FBB]  }
0x39: {  	_ = 	snop;
	(pc) =	sbr.ind lr, $3  }
0x3a: {  	_ = 	snop  }
0x3b: {  	_ = 	snop  }
0x3c: {  	p2 =	seq.s32 s10, $0x1;
	s10 =	sld [smem:$0x3FBA]  }
0x3d: {  	_ =	shalt  }
0x3e: {  	_ =	shalt  }
0x3f: {  	_ =	shalt  }
0x40: {  	_ =	shalt  }
0x41: {  	_ =	shalt  }
0x42: {  	_ =	shalt  }
0x43: {  	_ =	shalt  }
0x44: {  	_ =	shalt  }
0x45: {  	_ =	shalt  }
0x46: {  	_ =	shalt  }
0x47: {  	_ =	shalt  }
0x48: {  	_ =	shalt  }
0x49: {  	_ =	shalt  }
0x4a: {  	_ =	shalt  }
0x4b: {  	_ =	shalt  }
0x4c: {  	_ =	shalt  }
0x4d: {  	_ =	shalt  }
0x4e: {  	_ =	shalt  }
0x4f: {  	_ =	shalt  }
0x50: {  	_ =	shalt  }
0x51: {  	_ =	shalt  }
0x52: {  	_ =	shalt  }
0x53: {  	_ =	shalt  }
0x54: {  	_ =	shalt  }
0x55: {  	_ =	shalt  }
0x56: {  	_ =	shalt  }
0x57: {  	_ =	shalt  }
0x58: {  	_ =	shalt  }
0x59: {  	_ =	shalt  }
0x5a: {  	_ =	shalt  }
0x5b: {  	_ =	shalt  }
0x5c: {  	_ =	shalt  }
0x5d: {  	_ =	shalt  }
0x5e: {  	_ =	shalt  }
0x5f: {  	_ =	shalt  }
0x60: {  	_ =	shalt  }
0x61: {  	_ =	shalt  }
0x62: {  	_ =	shalt  }
0x63: {  	_ =	shalt  }
0x64: {  	_ =	shalt  }
0x65: {  	_ =	shalt  }
0x66: {  	_ =	shalt  }
0x67: {  	_ =	shalt  }
0x68: {  	_ =	shalt  }
0x69: {  	_ =	shalt  }
0x6a: {  	_ =	shalt  }
0x6b: {  	_ =	shalt  }
0x6c: {  	_ =	shalt  }
0x6d: {  	_ =	shalt  }
0x6e: {  	_ =	shalt  }
0x6f: {  	_ =	shalt  }
0x70: {  	_ =	shalt  }
0x71: {  	_ =	shalt  }
0x72: {  	_ =	shalt  }
0x73: {  	_ =	shalt  }
0x74: {  	_ =	shalt  }
0x75: {  	_ =	shalt  }
0x76: {  	_ =	shalt  }
0x77: {  	_ =	shalt  }
0x78: {  	_ =	shalt  }
0x79: {  	_ =	shalt  }
0x7a: {  	_ =	shalt  }
0x7b: {  	_ =	shalt  }
0x7c: {  	_ =	shalt  }
0x7d: {  	_ =	shalt  }
0x7e: {  	_ =	shalt  }
0x7f: {  	_ =	shalt  }
0x80: {  	_ =	shalt  }
0x81: {  	_ =	shalt  }
0x82: {  	_ =	shalt  }
0x83: {  	_ =	shalt  }
0x84: {  	_ =	shalt  }
0x85: {  	_ =	shalt  }
0x86: {  	_ =	shalt  }
0x87: {  	_ =	shalt  }
.Lfunc_end0:
.L_simem_size_0:
called_computation_lowered:
.L_overlay_start_0:
0x88: {  	s2 =	sld [smem:$0x3FD9]  }
0x89: {  	s3 =	sld [smem:$0x3FFE];
	_ =	sdelay $0x1  }
0x8a: {  	s1 =	srdreg.scid  }
0x8b: {  	s0 =	sand.u32 $0x1, s1  }
0x8c: {  	s17 =	sshll.u32 s0, $0xA;
	s2 =	sadd.s32 s3, s2  }
0x8d: {  	s2 =	sadd.s32 s2, s17  }
0x8e: {  	[smem:$0x3FC6] =	sst s2  }
0x8f: {  	_ = 	snop  }
0x90: {  	s2 =	sld [smem:$0x3FC9]  }
0x91: {  	s18 =	sld [smem:$0x3FD0];
	(tm) =	ssettm $0x1  }
0x92: {  	s4 =	sld [smem:$0x3FFB];
	_ =	sdelay $0x3  }
0x93: {  	_ =	strace s4  }
0x94: {  	s4 =	sld [smem:$0x3FFC];
	_ =	sdelay $0x3  }
0x95: {  	_ =	strace s4  }
0x96: {  	s4 =	sld [smem:$0x3FFD];
	_ =	sdelay $0x3  }
0x97: {  	_ =	strace s4  }
0x98: {  	_ =	strace $0x8FFFFFFF  }
0x99: {  	s19 =	sld [smem:$0x3FDB];
	_ =	sdelay $0x1  }
0x9a: {  	s5 =	simm.s32 $_scs_section_size  }
0x9b: {  	s6 =	simm.s32 $_size__tile_overlayer_lowered;
	s7 =	simm.s32 $_tile_overlayer_lowered  }
0x9c: {  	s22 =	simm.s32 $0x1BFF;
	s21 =	sshll.u32 s7, $0x1;
	s4 =	sadd.s32 s5, s19  }
0x9d: {  	s8 =	simm.s32 $0x0;
	s20 =	sshll.u32 s6, $0x1;
	s6 =	sadd.s32 s21, s4  }
0x9e: {  	[timem:s8], [sflag:s22] =	dma.local [hbm:s6], s20  }
0x9f: {  	_ =	swait.ge [sflag:s22], s20  }
0xa0: {  	s5 =	ssub.s32 $0x0, s20;
	[sflag:s22] =	ssyncset.done $0x0  }
0xa1: {  	[sflag:s22] =	ssyncadd.s32 s5;
	_ =	sdelay $0x1  }
0xa2: {  	s23 =	simm.s32 $0x1B8B  }
0xa3: {  	_ =	swait.ge [sflag:s23], $0x1  }
0xa4: {  	[sflag:s23] =	ssyncset.done $0x0  }
0xa5: {  	s25 =	simm.s32 $0x1B8E;
	s24 =	sld [smem:$0x3FFE];
	[sflag:s23] =	ssyncadd.s32 $0xFFFFFFFF  }
0xa6: {  	s26 =	simm.s32 $execute0_lowered;
	[smem:$0x3FD2] =	sst s25  }
0xa7: {  	s6 =	sshll.u32 s26, $0x1;
	_ =	strace $0x80000046;
	[dreg:$0x1] =	wrdreg $0xFFFFFFFF  }
0xa8: {  	s28 =	simm.s32 $_size_execute0_lowered;
	s4 =	sadd.s32 s4, s6;
	[dreg:$0x0] =	wrdreg $0x0  }
0xa9: {  	s6 =	sshll.u32 s28, $0x1;
	[dreg:$0x2] =	wrdreg s4  }
0xaa: {  	[dreg:$0x3] =	wrdreg s6  }
0xab: {  	[dreg:$0x4] =	wrdreg $0xC0  }
0xac: {  	_ =	task [dreg:s8], $0x5FFFF  }
0xad: {  	[dreg:$0x1] =	wrdreg $0xFFFFFFFF  }
0xae: {  	[dreg:$0x0] =	wrdreg $0x60  }
0xaf: {  	[dreg:$0x2] =	wrdreg s2  }
0xb0: {  	[dreg:$0x3] =	wrdreg s24  }
0xb1: {  	[dreg:$0x4] =	wrdreg s18  }
0xb2: {  	[dreg:$0x5] =	wrdreg $0x9  }
0xb3: {  	_ =	task.clear_ibuf [dreg:s8], $0x6FFFF;
	_ =	strace $0x90000046  }
0xb4: {  	s29 =	simm.s32 $0x9;
	_ =	strace $0x80000048  }
0xb5: {  	_ =	swait.ge [sflag:s29], $0x1  }
0xb6: {  	[sflag:s29] =	ssyncadd.s32 $0xFFFFFFFF  }
0xb7: {  	_ =	strace $0x90000048  }
0xb8: {  	_ =	sfence  }
0xb9: {  	s30 =	sld [smem:$0x0];
	_ =	sdelay $0x2  }
0xba: {  	s31 =	sshll.u32 s1, $0xD;
	s1 =	sshrl.u32 s1, $0x2  }
0xbb: {  	s3 =	sand.u32 $0x4000, s31;
	s1 =	sadd.s32 s1, s30  }
0xbc: {  	s0 =	sor.u32 s3, s0;
	s1 =	sshll.u32 s1, $0x11  }
0xbd: {  	s0 =	sor.u32 s1, s0  }
0xbe: {  	s0 =	sadd.s32 $0x8F2B, s0  }
0xbf: {  	[sflag:s0] =	ssyncadd.remote.s32 $0x1  }
0xc0: {  	_ =	sfence.sel $0xFFFF  }
0xc1: {  	[dreg:$0x0] =	wrdreg $0xFFFFFFFF;
	(pc) =	sbr.abs _section_cstart, $3  }
0xc2: {  	[dreg:$0x1] =	wrdreg $0xFFFFFFFF  }
0xc3: {  	_ =	task.clear_ibuf [dreg:s8], $0x2FFFF;
	_ =	strace $0x9FFFFFFF  }
0xc4: {  	(tm) =	ssettm $0x7FFFFFFF  }
0xc5: {  	_ =	shalt  }
tec
execute0_lowered:
.L_overlay_start_1:
0x0: {  	(tag) =	ssettag $0x1  }
0x1: {  	s28 =	rddreg [dreg:$0x0]  }
0x2: {  	s0 =	srdreg.scid;
	s4 =	rddreg [dreg:$0x1]  }
0x3: {  	s3 =	stileid.u32;
	s2 =	simm.s32 $0x1;
	s5 =	rddreg [dreg:$0x2]  }
0x4: {  	s19 =	simm.s32 $0x80;
	s20 =	simm.s32 $0x400;
	s21 =	simm.s32 $0x4080  }
0x5: {  	s25 =	simm.s32 $0x2;
	s26 =	simm.s32 $0x3;
	s0 =	sand.u32 $0x1, s0  }
0x6: {  	s31 =	simm.s32 $0x4;
	s22 =	simm.s32 $0x5;
	s1 =	sor.u32 s0, s3  }
0x7: {  	s23 =	simm.s32 $0x6;
	p1 =	seq.s32 s0, $0x1;
	p0 =	seq.s32 s1, $0x0  }
0x8: {  	s24 =	simm.s32 $0x0;
	s16 =	sadd.s32 $0x8C00, s4;
	p0 =	por !p0, !p1  }
0x9: {  	s9 =	sshll.u32 s0, $0x12;
	s0 =	ssub.s32 $0x2, s0;
	p0 =	por !p0, !p0  }
0xa: {  	s17 =	sadd.s32 $0x28C00, s4;
	s30 =	sshrl.u32 s0, $0x1;
	s2 =	simm.s32 @!p0 $0x0  }
0xb: {  	s0 =	ssub.s32 s0, s30;
	s3 =	ssub.s32 s3, s2;
	s2 =	simm.s32 $0x0  }
0xc: {  	s6 =	sshrl.u32 s3, $0x3;
	s3 =	sshll.u32 s3, $0x7;
	[smem:$0x7FF] =	sst s2  }
0xd: {  	s7 =	sand.u32 $0x380, s3;
	s29 =	sshll.u32 s6, $0x11;
	s6 =	sshll.u32 s6, $0x13  }
0xe: {  	_ =	strace $0x80000047;
	s3 =	sor.u32 s7, s29;
	s6 =	sor.u32 s9, s6  }
0xf: {  	s8 =	sshrl.u32 s3, $0x3;
	s3 =	simm.s32 $0x1;
	s6 =	sor.u32 s7, s6  }
0x10: {  	s10 =	sadd.s32 s8, s4;
	s12 =	sshrl.u32 s6, $0x3;
	s5 =	sadd.s32 s5, s8  }
0x11: {  	s4 =	sadd.s32 $0xC00, s10;
	s13 =	sor.u32 $0x2000, s12;
	s6 =	sadd.s32 s28, s12  }
0x12: {  	s8 =	sadd.s32 s16, s12;
	s9 =	sadd.s32 s17, s12;
	s15 =	sor.u32 $0x4000, s12  }
0x13: {  	s18 =	sor.u32 $0x6000, s12;
	s7 =	sadd.s32 s28, s13;
	s10 =	sadd.s32 s28, s15  }
0x14: {  	s11 =	sadd.s32 s16, s13;
	s12 =	sadd.s32 s17, s13;
	s13 =	sadd.s32 s28, s18  }
0x15: {  	s14 =	sadd.s32 s16, s15;
	s15 =	sadd.s32 s17, s15;
	s16 =	sadd.s32 s16, s18  }
0x16: {  	v0 =	vimm.s32 $0x0;
	s17 =	sadd.s32 s17, s18;
	s18 =	smax.u32 s0, $0x1;
	s0 =	simm.s32 $0x12100  }
.LBB2_1:
0x17: {  	[tilespmem:s2], [sflag:$0x1] =	stream.strided.gather [hbm4b:s4+s19], $0x4000, s20, s19, $0x38;
	[tilespmem:$0x14100] =	vst v63  }
0x18: {  	_ = 	snop  }
0x19: {  	[tilespmem:s21], [sflag:$0x2] =	stream.strided.gather [hbm4b:s5+s19], $0x4000, s20, s19, $0x38;
	[tilespmem:$0x14100] =	vst v63  }
0x1a: {  	s1 =	simm.s32 $0x4000  }
0x1b: {  	[tilespmem:s1], [sflag:$0x1] =	stream.linear.gather [hbm4b:s4+s2], $0x10, $0x38;
	[tilespmem:$0x14100] =	vst v63  }
0x1c: {  	s1 =	simm.s32 $0x8080  }
0x1d: {  	[tilespmem:s1], [sflag:$0x2] =	stream.linear.gather [hbm4b:s5+s2], $0x10, $0x38;
	[tilespmem:$0x14100] =	vst v63  }
0x1e: {  	s1 =	simm.s32 $0x8100  }
0x1f: {  	[tilespmem:s1], [sflag:$0x3] =	stream.strided.gather [hbm4b:s6+s19], $0x2000, s20, s19, $0x38;
	[tilespmem:$0x14100] =	vst v63  }
0x20: {  	_ =	swait.ge [sflag:s3], $0x4000  }
0x21: {  	[sflag:s3] =	ssyncset.done $0x0  }
0x22: {  	[sflag:s3] =	ssyncadd.s32 $0xFFFFC000  }
0x23: {  	_ =	swait.ge [sflag:s25], $0x4000  }
0x24: {  	[sflag:s25] =	ssyncset.done $0x0  }
0x25: {  	[sflag:s25] =	ssyncadd.s32 $0xFFFFC000  }
0x26: {  	_ =	swait.ge [sflag:s3], $0x10  }
0x27: {  	[sflag:s3] =	ssyncset.done $0x0  }
0x28: {  	[sflag:s3] =	ssyncadd.s32 $0xFFFFFFF0  }
0x29: {  	_ =	swait.ge [sflag:s25], $0x10  }
0x2a: {  	[sflag:s25] =	ssyncset.done $0x0  }
0x2b: {  	[sflag:s25] =	ssyncadd.s32 $0xFFFFFFF0  }
0x2c: {  	_ =	swait.ge [sflag:s26], $0x2000  }
0x2d: {  	[sflag:s26] =	ssyncset.done $0x0  }
0x2e: {  	s29 =	simm.s32 $0x0;
	s1 =	simm.s32 $0xA100;
	[sflag:s26] =	ssyncadd.s32 $0xFFFFE000  }
0x2f: {  	[tilespmem:s1], [sflag:$0x4] =	stream.strided.gather [hbm4b:s7+s19], $0x2000, s20, s19, $0x38;
	[tilespmem:$0x14100] =	vst v63  }
0x30: {  	v1 =	vld [tilespmem:s29+$0x8100];
	_ =	sdelay $0x4  }
0x31: {  	v1 =	vmul.f32 $1.638400000e+04, v1;
	_ =	sdelay $0x1  }
0x32: {  	v2 =	vtrunc.f32 v1  }
0x33: {  	v3 =	vcvt.f32.s32 v2;
	vm0 =	vgt.f32 v1, v2  }
0x34: {  	v2 =	vsel vm0, $0x1, v0  }
0x35: {  	v2 =	vadd.s32 v3, v2  }
0x36: {  	v3 =	vcvt.s32.f32 v2;
	_ =	sdelay $0x1  }
0x37: {  	v2 =	vadd.s32 $0x3FFC, v2;
	v3 =	vsub.f32 v1, v3  }
0x38: {  	v8 =	vand.u32 $0x3FFF, v2  }
0x39: {  	v10 =	vadd.s32 $0x1, v8;
	v20 =	vadd.s32 $0x2, v8;
	v1 =	vmul.f32 $3.945459380e+04, v3  }
0x3a: {  	v27 =	vadd.s32 $0x4, v8;
	v6 =	vmul.f32 $3.948199380e+05, v3;
	v7 =	vmul.f32 $9.874022650e+04, v3  }
0x3b: {  	v4 =	vmul.f32 $-5.330284380e+05, v3;
	v5 =	vadd.f32 $3.862057810e+04, v1;
	v1 =	vadd.f32 $1.191977970e+05, v1  }
0x3c: {  	v23 =	vadd.s32 $0x5, v8;
	v9 =	vadd.f32 $-5.743853750e+05, v6;
	v11 =	vadd.f32 $-2.354119380e+05, v7  }
0x3d: {  	v7 =	vadd.f32 $6.303728750e+05, v7;
	v2 =	vmul.f32 v5, v3;
	v5 =	vadd.f32 $-7.052322500e+05, v4  }
0x3e: {  	v6 =	vadd.f32 $2.153665000e+06, v6;
	v4 =	vadd.f32 $-1.426881630e+06, v4;
	v9 =	vmul.f32 v9, v3  }
0x3f: {  	s28 =	simm.s32 $0x10;
	v11 =	vmul.f32 v11, v3;
	v2 =	vadd.f32 $1.708826760e+04, v2;
	v5 =	vmul.f32 v5, v3  }
0x40: {  	v12 =	vld [tilespmem:s28+$0x8100];
	v13 =	vmul.f32 v7, v3;
	v4 =	vmul.f32 v4, v3;
	v9 =	vadd.f32 $-3.643497750e+06, v9  }
0x41: {  	v6 =	vmul.f32 v6, v3;
	v2 =	vmul.f32 v2, v3;
	v5 =	vadd.f32 $1.277971380e+06, v5  }
0x42: {  	v1 =	vmul.f32 v1, v3;
	v4 =	vadd.f32 $1.954972970e+05, v4;
	v9 =	vmul.f32 v9, v3  }
0x43: {  	v6 =	vadd.f32 $4.485779690e+05, v6;
	v2 =	vadd.f32 $2.483576900e+03, v2;
	v5 =	vmul.f32 v5, v3  }
0x44: {  	v4 =	vmul.f32 v4, v3;
	v7 =	vadd.f32 $-3.515712110e+04, v9;
	v9 =	vadd.f32 $1.338457190e+05, v11  }
0x45: {  	v11 =	vmul.f32 $1.638400000e+04, v12;
	v2 =	vmul.f32 v2, v3;
	v5 =	vadd.f32 $-1.453845500e+06, v5  }
0x46: {  	v6 =	vmul.f32 v6, v3;
	v4 =	vadd.f32 $3.993371000e+06, v4;
	v9 =	vmul.f32 v9, v3  }
0x47: {  	v5 =	vmul.f32 v5, v3;
	v21 =	vadd.f32 $8.889943700e+01, v2;
	v2 =	vtrunc.f32 v11  }
0x48: {  	v22 =	vadd.s32 $0x3, v8;
	v4 =	vmul.f32 v4, v3;
	v12 =	vcvt.f32.s32 v2  }
0x49: {  	vm15 =	vgt.f32 v11, v2;
	v2 =	vadd.f32 $-8.139252340e+04, v9;
	v25 =	vadd.f32 $5.642270000e+05, v5  }
0x4a: {  	v29 =	vld.idx.msk [tilespmem:v8+s21+$0x0], $0xffff;
	v5 =	vmul.f32 v7, v3;
	v7 =	vadd.f32 $3.468247750e+06, v4;
	v4 =	vsel vm15, $0x1, v0  }
0x4b: {  	v18 =	vld.idx.msk [tilespmem:v23+s2+$0x0], $0xffff;
	v1 =	vadd.f32 $1.379540940e+05, v1;
	v6 =	vadd.f32 $-3.949402500e+06, v6;
	v4 =	vadd.s32 v12, v4  }
0x4c: {  	v19 =	vld.idx.msk [tilespmem:v27+s2+$0x0], $0xffff;
	v12 =	vadd.f32 $1.432522880e+06, v13;
	v2 =	vmul.f32 v2, v3;
	v13 =	vcvt.s32.f32 v4  }
0x4d: {  	v32 =	vld.idx.msk [tilespmem:v10+s2+$0x0], $0xffff;
	v9 =	vadd.f32 $6.108476000e+06, v5;
	v5 =	vmul.f32 v6, v3;
	v6 =	vmul.f32 v1, v3  }
0x4e: {  	v28 =	vadd.s32 $0x6, v8;
	v10 =	vld.idx.msk [tilespmem:v10+s21+$0x0], $0xffff;
	v15 =	vmul.f32 v12, v3;
	v26 =	vadd.f32 $1.546192290e+04, v2  }
0x4f: {  	v34 =	vmul.f32 v21, v29;
	v1 =	vsub.f32 v11, v13;
	v6 =	vadd.f32 $7.364960150e+04, v6  }
0x50: {  	v14 =	vadd.f32 $3.469340750e+06, v5;
	v5 =	vadd.f32 $1.450280630e+06, v15;
	v15 =	vmul.f32 v7, v18  }
0x51: {  	v17 =	vld.idx.msk [tilespmem:v22+s2+$0x0], $0xffff;
	v4 =	vadd.s32 $0x3FFC, v4;
	v18 =	vmul.f32 v9, v19;
	v11 =	vmul.f32 $3.945459380e+04, v1  }
0x52: {  	v12 =	vadd.s32 $0x7, v8;
	v32 =	vmul.f32 v26, v32;
	v2 =	vmul.f32 v6, v3  }
0x53: {  	v8 =	vld.idx.msk [tilespmem:v8+s2+$0x0], $0xffff;
	v62 =	vmul.f32 v26, v10;
	v24 =	vmul.f32 $-5.330284380e+05, v1;
	v6 =	vadd.f32 $3.862057810e+04, v11  }
0x54: {  	v30 =	vmul.f32 $9.874022650e+04, v1;
	v16 =	vmul.f32 $3.948199380e+05, v1;
	v13 =	vadd.f32 $1.552760550e+04, v2  }
0x55: {  	v2 =	vand.u32 $0x3FFF, v4;
	v33 =	vadd.f32 $-7.052322500e+05, v24;
	v4 =	vmul.f32 v6, v1  }
0x56: {  	v17 =	vmul.f32 v14, v17;
	v31 =	vmul.f32 v5, v3;
	v11 =	vadd.f32 $1.191977970e+05, v11  }
0x57: {  	v3 =	vld.idx.msk [tilespmem:v20+s2+$0x0], $0xffff;
	v19 =	vadd.f32 $-2.354119380e+05, v30;
	v33 =	vmul.f32 v33, v1;
	v4 =	vadd.f32 $1.708826760e+04, v4  }
0x58: {  	v36 =	vld.idx.msk [tilespmem:v20+s21+$0x0], $0xffff;
	v61 =	vadd.f32 $-5.743853750e+05, v16;
	v8 =	vmul.f32 v21, v8;
	v37 =	vadd.f32 $-1.426881630e+06, v24  }
0x59: {  	v5 =	vadd.s32 $0x2, v2;
	v33 =	vadd.f32 $1.277971380e+06, v33;
	v29 =	vmul.f32 v4, v1  }
0x5a: {  	v24 =	vadd.f32 $5.648523130e+05, v31;
	v10 =	vadd.s32 $0x5, v2;
	v31 =	vmul.f32 v61, v1  }
0x5b: {  	v20 =	vadd.f32 $2.483576900e+03, v29;
	v29 =	vadd.f32 $6.303728750e+05, v30;
	v30 =	vmul.f32 v33, v1  }
0x5c: {  	v26 =	vld.idx.msk [tilespmem:v22+s21+$0x0], $0xffff;
	v6 =	vadd.s32 $0x1, v2;
	v19 =	vmul.f32 v19, v1;
	v35 =	vmul.f32 v25, v3  }
0x5d: {  	v38 =	vadd.f32 $-3.643497750e+06, v31;
	v31 =	vmul.f32 v25, v36;
	v25 =	vld.idx.msk [tilespmem:v28+s21+$0x0], $0xffff;
	v30 =	vadd.f32 $-1.453845500e+06, v30  }
0x5e: {  	v37 =	vmul.f32 v37, v1;
	v8 =	vadd.f32 v32, v8;
	v21 =	vmul.f32 v20, v1;
	v20 =	vld.idx.msk [tilespmem:v23+s21+$0x0], $0xffff  }
0x5f: {  	v32 =	vadd.f32 v62, v34;
	v3 =	vadd.s32 $0x4, v2;
	v23 =	vld.idx.msk [tilespmem:v28+s2+$0x0], $0xffff;
	v63 =	vmul.f32 v30, v1  }
0x60: {  	v4 =	vadd.s32 $0x3, v2;
	v28 =	vadd.f32 $1.954972970e+05, v37;
	v22 =	vmul.f32 v29, v1;
	v29 =	vld.idx.msk [tilespmem:v27+s21+$0x0], $0xffff  }
0x61: {  	s30 =	simm.s32 $0x80;
	v27 =	vmul.f32 v38, v1;
	v30 =	vadd.f32 v8, v35;
	v8 =	vadd.f32 $5.642270000e+05, v63  }
.LBB2_2:
0x62: {  	s1 =	sshra.s32 s30, $0x2;
	p0 =	sne.s32 s30, $0x7FC0;
	s30 =	sadd.s32 $0x40, s30;
	v16 =	vadd.f32 $2.153665000e+06, v16;
	v28 =	vmul.f32 v28, v1;
	v14 =	vmul.f32 v14, v26;
	v26 =	vld.idx.msk [tilespmem:v12+s2+$0x0], $0xffff  }
0x63: {  	v25 =	vmul.f32 v24, v25;
	v33 =	vld [tilespmem:s1+$0x8100];
	v27 =	vadd.f32 $-3.515712110e+04, v27;
	v31 =	vadd.f32 v32, v31  }
0x64: {  	v23 =	vmul.f32 v24, v23;
	v16 =	vmul.f32 v16, v1;
	v28 =	vadd.f32 $3.993371000e+06, v28  }
0x65: {  	v9 =	vmul.f32 v9, v29;
	v24 =	vmul.f32 v27, v1;
	v14 =	vadd.f32 v31, v14  }
0x66: {  	v19 =	vadd.f32 $1.338457190e+05, v19;
	v17 =	vadd.f32 v30, v17;
	v27 =	vmul.f32 v28, v1;
	v12 =	vld.idx.msk [tilespmem:v12+s21+$0x0], $0xffff  }
0x67: {  	v21 =	vadd.f32 $8.889943700e+01, v21;
	v7 =	vmul.f32 v7, v20;
	v9 =	vadd.f32 v14, v9  }
0x68: {  	v17 =	vadd.f32 v17, v18;
	v16 =	vadd.f32 $4.485779690e+05, v16;
	v14 =	vmul.f32 v19, v1  }
0x69: {  	v11 =	vmul.f32 v11, v1;
	v18 =	vmul.f32 v13, v26;
	v9 =	vadd.f32 v9, v7  }
0x6a: {  	v15 =	vadd.f32 v17, v15;
	v16 =	vmul.f32 v16, v1;
	v7 =	vadd.f32 $3.468247750e+06, v27  }
0x6b: {  	v17 =	vmul.f32 $1.638400000e+04, v33;
	v14 =	vadd.f32 $-8.139252340e+04, v14;
	v19 =	vadd.f32 v9, v25  }
0x6c: {  	v15 =	vadd.f32 v15, v23;
	v16 =	vadd.f32 $-3.949402500e+06, v16;
	v12 =	vmul.f32 v12, v13  }
0x6d: {  	v11 =	vadd.f32 $1.379540940e+05, v11;
	v13 =	vtrunc.f32 v17;
	v9 =	vadd.f32 $6.108476000e+06, v24  }
0x6e: {  	v20 =	vcvt.f32.s32 v13;
	vm0 =	vgt.f32 v17, v13;
	v13 =	vadd.f32 v15, v18  }
0x6f: {  	v18 =	vadd.f32 $1.432522880e+06, v22;
	v15 =	vsel vm0, $0x1, v0;
	v12 =	vadd.f32 v19, v12  }
0x70: {  	v19 =	vmul.f32 v14, v1;
	v14 =	vmul.f32 v16, v1;
	v15 =	vadd.s32 v20, v15;
	[tilespmem:s29+$0xC100] =	vst v13  }
0x71: {  	v16 =	vmul.f32 v18, v1;
	v13 =	vcvt.s32.f32 v15;
	v15 =	vadd.s32 $0x3FFC, v15;
	[tilespmem:s29+$0x10100] =	vst v12;
	s29 =	smov.u32 s28;
	s28 =	smov.u32 s1  }
0x72: {  	v11 =	vmul.f32 v11, v1;
	v18 =	vld.idx.msk [tilespmem:v10+s2+$0x0], $0xffff  }
0x73: {  	v13 =	vsub.f32 v17, v13;
	v17 =	vld.idx.msk [tilespmem:v4+s2+$0x0], $0xffff  }
0x74: {  	v11 =	vadd.f32 $7.364960150e+04, v11;
	v25 =	vadd.s32 $0x6, v2;
	v12 =	vadd.s32 $0x7, v2;
	v22 =	vld.idx.msk [tilespmem:v6+s2+$0x0], $0xffff  }
0x75: {  	v14 =	vadd.f32 $3.469340750e+06, v14;
	v16 =	vadd.f32 $1.450280630e+06, v16;
	v20 =	vmul.f32 $3.945459380e+04, v13;
	v23 =	vld.idx.msk [tilespmem:v3+s2+$0x0], $0xffff  }
0x76: {  	v27 =	vadd.f32 $1.546192290e+04, v19;
	v19 =	vmul.f32 v11, v1;
	v24 =	vmul.f32 $-5.330284380e+05, v13;
	v26 =	vld.idx.msk [tilespmem:v2+s21+$0x0], $0xffff  }
0x77: {  	v31 =	vmul.f32 v16, v1;
	v29 =	vmul.f32 $9.874022650e+04, v13;
	v1 =	vmovc v13;
	v28 =	vadd.f32 $3.862057810e+04, v20;
	v30 =	vld.idx.msk [tilespmem:v5+s2+$0x0], $0xffff  }
0x78: {  	v13 =	vadd.f32 $1.552760550e+04, v19;
	v16 =	vmul.f32 $3.948199380e+05, v1;
	v11 =	vadd.f32 $1.191977970e+05, v20  }
0x79: {  	v19 =	vmul.f32 v28, v1;
	v17 =	vmul.f32 v14, v17;
	v28 =	vld.idx.msk [tilespmem:v2+s2+$0x0], $0xffff;
	v2 =	vand.u32 $0x3FFF, v15  }
0x7a: {  	v33 =	vadd.f32 $-7.052322500e+05, v24;
	v15 =	vmul.f32 v7, v18;
	v32 =	vadd.s32 $0x1, v2;
	v20 =	vld.idx.msk [tilespmem:v10+s21+$0x0], $0xffff  }
0x7b: {  	v10 =	vadd.f32 $1.708826760e+04, v19;
	v34 =	vadd.s32 $0x2, v2;
	v18 =	vmul.f32 v9, v23  }
0x7c: {  	v33 =	vmul.f32 v33, v1;
	v19 =	vadd.f32 $-2.354119380e+05, v29;
	v35 =	vmul.f32 v21, v26;
	v36 =	vld.idx.msk [tilespmem:v6+s21+$0x0], $0xffff;
	v6 =	vmovc v32  }
0x7d: {  	v10 =	vmul.f32 v10, v1;
	v32 =	vadd.s32 $0x3, v2;
	v30 =	vmul.f32 v8, v30;
	v23 =	vld.idx.msk [tilespmem:v25+s2+$0x0], $0xffff  }
0x7e: {  	v22 =	vmul.f32 v27, v22;
	v26 =	vadd.f32 $1.277971380e+06, v33;
	v19 =	vmul.f32 v19, v1;
	v33 =	vld.idx.msk [tilespmem:v5+s21+$0x0], $0xffff;
	v5 =	vmovc v34  }
0x7f: {  	v37 =	vadd.f32 $6.303728750e+05, v29;
	v10 =	vadd.f32 $2.483576900e+03, v10;
	v34 =	vadd.s32 $0x4, v2  }
0x80: {  	v38 =	vadd.f32 $-5.743853750e+05, v16;
	v29 =	vmul.f32 v26, v1;
	v28 =	vmul.f32 v21, v28  }
0x81: {  	v21 =	vmul.f32 v10, v1;
	v10 =	vadd.f32 $-1.426881630e+06, v24;
	v24 =	vadd.f32 $5.648523130e+05, v31;
	v26 =	vld.idx.msk [tilespmem:v4+s21+$0x0], $0xffff;
	v4 =	vmovc v32  }
.Ltmp0:
0x82: {  	v29 =	vadd.f32 $-1.453845500e+06, v29;
	v31 =	vmul.f32 v38, v1;
	v32 =	vmul.f32 v27, v36;
	v25 =	vld.idx.msk [tilespmem:v25+s21+$0x0], $0xffff;
	(pc) =	sbr.rel @p0 .LBB2_2-.Ltmp0, $4  }
0x83: {  	v36 =	vadd.f32 v22, v28;
	v27 =	vmul.f32 v10, v1;
	v10 =	vadd.s32 $0x5, v2  }
0x84: {  	v38 =	vmul.f32 v29, v1;
	v39 =	vadd.f32 $-3.643497750e+06, v31;
	v31 =	vmul.f32 v8, v33;
	v29 =	vld.idx.msk [tilespmem:v3+s21+$0x0], $0xffff;
	v3 =	vmovc v34  }
0x85: {  	v22 =	vmul.f32 v37, v1;
	v30 =	vadd.f32 v36, v30;
	v28 =	vadd.f32 $1.954972970e+05, v27  }
0x86: {  	v8 =	vadd.f32 $5.642270000e+05, v38;
	v32 =	vadd.f32 v32, v35;
	v27 =	vmul.f32 v39, v1  }
0x87: {  	_ =	sdelay $0x1  }
0x88: {  	v14 =	vmul.f32 v14, v26;
	v26 =	vadd.f32 v32, v31  }
0x89: {  	v17 =	vadd.f32 v30, v17  }
0x8a: {  	v30 =	vld.idx.msk [tilespmem:v12+s2+$0x0], $0xffff;
	v9 =	vmul.f32 v9, v29;
	v14 =	vadd.f32 v26, v14  }
0x8b: {  	v12 =	vld.idx.msk [tilespmem:v12+s21+$0x0], $0xffff;
	v17 =	vadd.f32 v17, v18  }
0x8c: {  	v7 =	vmul.f32 v7, v20;
	v9 =	vadd.f32 v14, v9  }
0x8d: {  	v15 =	vadd.f32 v17, v15;
	v14 =	vmul.f32 v24, v23  }
0x8e: {  	v17 =	vmul.f32 v24, v25;
	v7 =	vadd.f32 v9, v7  }
0x8f: {  	v9 =	vmul.f32 v13, v30;
	v14 =	vadd.f32 v15, v14  }
0x90: {  	v12 =	vmul.f32 v12, v13;
	v7 =	vadd.f32 v7, v17  }
0x91: {  	v13 =	vadd.f32 $2.153665000e+06, v16;
	v9 =	vadd.f32 v14, v9  }
0x92: {  	v15 =	vadd.f32 $1.338457190e+05, v19;
	v7 =	vadd.f32 v7, v12  }
0x93: {  	v14 =	vmul.f32 v28, v1;
	v12 =	vmul.f32 v13, v1;
	[tilespmem:s29+$0xC100] =	vst v9  }
0x94: {  	v13 =	vmul.f32 v15, v1;
	[tilespmem:s29+$0x10100] =	vst v7  }
0x95: {  	v11 =	vmul.f32 v11, v1;
	v9 =	vadd.f32 $3.993371000e+06, v14;
	v12 =	vadd.f32 $4.485779690e+05, v12;
	v14 =	vld.idx.msk [tilespmem:v6+s2+$0x0], $0xffff  }
0x96: {  	v18 =	vadd.f32 $1.432522880e+06, v22;
	v13 =	vadd.f32 $-8.139252340e+04, v13;
	v15 =	vld.idx.msk [tilespmem:v2+s21+$0x0], $0xffff  }
0x97: {  	v11 =	vadd.f32 $1.379540940e+05, v11;
	v16 =	vld.idx.msk [tilespmem:v2+s2+$0x0], $0xffff;
	v12 =	vmul.f32 v12, v1  }
0x98: {  	v18 =	vmul.f32 v18, v1;
	v6 =	vld.idx.msk [tilespmem:v6+s21+$0x0], $0xffff;
	v13 =	vmul.f32 v13, v1  }
0x99: {  	v11 =	vmul.f32 v11, v1;
	v7 =	vadd.f32 $-3.515712110e+04, v27;
	v19 =	vld.idx.msk [tilespmem:v5+s2+$0x0], $0xffff;
	v12 =	vadd.f32 $-3.949402500e+06, v12  }
0x9a: {  	v17 =	vadd.f32 $8.889943700e+01, v21;
	v9 =	vmul.f32 v9, v1;
	v5 =	vld.idx.msk [tilespmem:v5+s21+$0x0], $0xffff;
	v13 =	vadd.f32 $1.546192290e+04, v13  }
0x9b: {  	v11 =	vadd.f32 $7.364960150e+04, v11;
	v20 =	vld.idx.msk [tilespmem:v4+s2+$0x0], $0xffff;
	v7 =	vmul.f32 v7, v1;
	v12 =	vmul.f32 v12, v1  }
0x9c: {  	v21 =	vadd.s32 $0x6, v2;
	v4 =	vld.idx.msk [tilespmem:v4+s21+$0x0], $0xffff;
	v14 =	vmul.f32 v13, v14;
	v16 =	vmul.f32 v17, v16  }
0x9d: {  	v2 =	vadd.s32 $0x7, v2;
	v22 =	vld.idx.msk [tilespmem:v3+s2+$0x0], $0xffff;
	v15 =	vmul.f32 v17, v15;
	v6 =	vmul.f32 v13, v6  }
0x9e: {  	v3 =	vld.idx.msk [tilespmem:v3+s21+$0x0], $0xffff;
	v13 =	vmul.f32 v8, v19;
	v12 =	vadd.f32 $3.469340750e+06, v12;
	v14 =	vadd.f32 v14, v16  }
0x9f: {  	v7 =	vadd.f32 $6.108476000e+06, v7;
	v5 =	vmul.f32 v8, v5;
	v16 =	vld.idx.msk [tilespmem:v10+s2+$0x0], $0xffff;
	v6 =	vadd.f32 v6, v15  }
0xa0: {  	v8 =	vadd.f32 $1.450280630e+06, v18;
	v10 =	vld.idx.msk [tilespmem:v10+s21+$0x0], $0xffff;
	v15 =	vmul.f32 v12, v20;
	v13 =	vadd.f32 v14, v13  }
0xa1: {  	v9 =	vadd.f32 $3.468247750e+06, v9;
	v14 =	vld.idx.msk [tilespmem:v21+s2+$0x0], $0xffff;
	v4 =	vmul.f32 v12, v4;
	v5 =	vadd.f32 v6, v5  }
0xa2: {  	v6 =	vmul.f32 v8, v1;
	v8 =	vmul.f32 v7, v22;
	v12 =	vld.idx.msk [tilespmem:v21+s21+$0x0], $0xffff;
	v13 =	vadd.f32 v13, v15  }
0xa3: {  	v3 =	vmul.f32 v7, v3;
	v1 =	vmul.f32 v11, v1;
	v11 =	vld.idx.msk [tilespmem:v2+s2+$0x0], $0xffff;
	v4 =	vadd.f32 v5, v4  }
0xa4: {  	v2 =	vld.idx.msk [tilespmem:v2+s21+$0x0], $0xffff;
	v6 =	vadd.f32 $5.648523130e+05, v6;
	v5 =	vmul.f32 v9, v16;
	v7 =	vadd.f32 v13, v8  }
0xa5: {  	v3 =	vadd.f32 v4, v3;
	v4 =	vmul.f32 v9, v10  }
0xa6: {  	v1 =	vadd.f32 $1.552760550e+04, v1;
	v8 =	vmul.f32 v6, v14;
	v5 =	vadd.f32 v7, v5  }
0xa7: {  	v6 =	vmul.f32 v6, v12;
	v3 =	vadd.f32 v3, v4  }
0xa8: {  	v4 =	vmul.f32 v1, v11;
	v5 =	vadd.f32 v5, v8  }
0xa9: {  	v1 =	vmul.f32 v2, v1;
	v3 =	vadd.f32 v3, v6  }
0xaa: {  	v2 =	vadd.f32 v5, v4  }
0xab: {  	v1 =	vadd.f32 v3, v1  }
0xac: {  	[tilespmem:s28+$0xC100] =	vst v2  }
0xad: {  	s1 =	simm.s32 $0xC100;
	[tilespmem:s28+$0x10100] =	vst v1  }
0xae: {  	[hbm4b:s8+s19] =	stream.strided.scatter [tilespmem:s1], [sflag:$0x5], $0x2000, s20, s19, $0x38;
	[tilespmem:$0x14100] =	vst v63  }
0xaf: {  	s1 =	simm.s32 $0x10100  }
0xb0: {  	[hbm4b:s9+s19] =	stream.strided.scatter [tilespmem:s1], [sflag:$0x5], $0x2000, s20, s19, $0x38;
	[tilespmem:$0x14100] =	vst v63  }
0xb1: {  	_ =	swait.ge [sflag:s31], $0x2000  }
0xb2: {  	[sflag:s31] =	ssyncset.done $0x0  }
0xb3: {  	s29 =	simm.s32 $0x0;
	s1 =	simm.s32 $0x8100;
	[sflag:s31] =	ssyncadd.s32 $0xFFFFE000  }
0xb4: {  	[tilespmem:s1], [sflag:$0x3] =	stream.strided.gather [hbm4b:s10+s19], $0x2000, s20, s19, $0x38;
	[tilespmem:$0x14100] =	vst v63  }
0xb5: {  	v1 =	vld [tilespmem:s29+$0xA100];
	_ =	sdelay $0x4  }
0xb6: {  	v1 =	vmul.f32 $1.638400000e+04, v1;
	_ =	sdelay $0x1  }
0xb7: {  	v2 =	vtrunc.f32 v1  }
0xb8: {  	v3 =	vcvt.f32.s32 v2;
	vm0 =	vgt.f32 v1, v2  }
0xb9: {  	v2 =	vsel vm0, $0x1, v0  }
0xba: {  	v2 =	vadd.s32 v3, v2  }
0xbb: {  	v3 =	vcvt.s32.f32 v2;
	_ =	sdelay $0x1  }
0xbc: {  	v2 =	vadd.s32 $0x3FFC, v2;
	v3 =	vsub.f32 v1, v3  }
0xbd: {  	v8 =	vand.u32 $0x3FFF, v2  }
0xbe: {  	v10 =	vadd.s32 $0x1, v8;
	v20 =	vadd.s32 $0x2, v8;
	v1 =	vmul.f32 $3.945459380e+04, v3  }
0xbf: {  	v27 =	vadd.s32 $0x4, v8;
	v6 =	vmul.f32 $3.948199380e+05, v3;
	v7 =	vmul.f32 $9.874022650e+04, v3  }
0xc0: {  	v4 =	vmul.f32 $-5.330284380e+05, v3;
	v5 =	vadd.f32 $3.862057810e+04, v1;
	v1 =	vadd.f32 $1.191977970e+05, v1  }
0xc1: {  	v23 =	vadd.s32 $0x5, v8;
	v9 =	vadd.f32 $-5.743853750e+05, v6;
	v11 =	vadd.f32 $-2.354119380e+05, v7  }
0xc2: {  	v7 =	vadd.f32 $6.303728750e+05, v7;
	v2 =	vmul.f32 v5, v3;
	v5 =	vadd.f32 $-7.052322500e+05, v4  }
0xc3: {  	v6 =	vadd.f32 $2.153665000e+06, v6;
	v4 =	vadd.f32 $-1.426881630e+06, v4;
	v9 =	vmul.f32 v9, v3  }
0xc4: {  	s28 =	simm.s32 $0x10;
	v11 =	vmul.f32 v11, v3;
	v2 =	vadd.f32 $1.708826760e+04, v2;
	v5 =	vmul.f32 v5, v3  }
0xc5: {  	v12 =	vld [tilespmem:s28+$0xA100];
	v13 =	vmul.f32 v7, v3;
	v4 =	vmul.f32 v4, v3;
	v9 =	vadd.f32 $-3.643497750e+06, v9  }
0xc6: {  	v6 =	vmul.f32 v6, v3;
	v2 =	vmul.f32 v2, v3;
	v5 =	vadd.f32 $1.277971380e+06, v5  }
0xc7: {  	v1 =	vmul.f32 v1, v3;
	v4 =	vadd.f32 $1.954972970e+05, v4;
	v9 =	vmul.f32 v9, v3  }
0xc8: {  	v6 =	vadd.f32 $4.485779690e+05, v6;
	v2 =	vadd.f32 $2.483576900e+03, v2;
	v5 =	vmul.f32 v5, v3  }
0xc9: {  	v4 =	vmul.f32 v4, v3;
	v7 =	vadd.f32 $-3.515712110e+04, v9;
	v9 =	vadd.f32 $1.338457190e+05, v11  }
0xca: {  	v11 =	vmul.f32 $1.638400000e+04, v12;
	v2 =	vmul.f32 v2, v3;
	v5 =	vadd.f32 $-1.453845500e+06, v5  }
0xcb: {  	v6 =	vmul.f32 v6, v3;
	v4 =	vadd.f32 $3.993371000e+06, v4;
	v9 =	vmul.f32 v9, v3  }
0xcc: {  	v5 =	vmul.f32 v5, v3;
	v21 =	vadd.f32 $8.889943700e+01, v2;
	v2 =	vtrunc.f32 v11  }
0xcd: {  	v22 =	vadd.s32 $0x3, v8;
	v4 =	vmul.f32 v4, v3;
	v12 =	vcvt.f32.s32 v2  }
0xce: {  	vm15 =	vgt.f32 v11, v2;
	v2 =	vadd.f32 $-8.139252340e+04, v9;
	v25 =	vadd.f32 $5.642270000e+05, v5  }
0xcf: {  	v29 =	vld.idx.msk [tilespmem:v8+s21+$0x0], $0xffff;
	v5 =	vmul.f32 v7, v3;
	v7 =	vadd.f32 $3.468247750e+06, v4;
	v4 =	vsel vm15, $0x1, v0  }
0xd0: {  	v18 =	vld.idx.msk [tilespmem:v23+s2+$0x0], $0xffff;
	v1 =	vadd.f32 $1.379540940e+05, v1;
	v6 =	vadd.f32 $-3.949402500e+06, v6;
	v4 =	vadd.s32 v12, v4  }
0xd1: {  	v19 =	vld.idx.msk [tilespmem:v27+s2+$0x0], $0xffff;
	v12 =	vadd.f32 $1.432522880e+06, v13;
	v2 =	vmul.f32 v2, v3;
	v13 =	vcvt.s32.f32 v4  }
0xd2: {  	v60 =	vld.idx.msk [tilespmem:v10+s2+$0x0], $0xffff;
	v9 =	vadd.f32 $6.108476000e+06, v5;
	v5 =	vmul.f32 v6, v3;
	v6 =	vmul.f32 v1, v3  }
0xd3: {  	v28 =	vadd.s32 $0x6, v8;
	v10 =	vld.idx.msk [tilespmem:v10+s21+$0x0], $0xffff;
	v15 =	vmul.f32 v12, v3;
	v26 =	vadd.f32 $1.546192290e+04, v2  }
0xd4: {  	v34 =	vmul.f32 v21, v29;
	v1 =	vsub.f32 v11, v13;
	v6 =	vadd.f32 $7.364960150e+04, v6  }
0xd5: {  	v14 =	vadd.f32 $3.469340750e+06, v5;
	v5 =	vadd.f32 $1.450280630e+06, v15;
	v15 =	vmul.f32 v7, v18  }
0xd6: {  	v17 =	vld.idx.msk [tilespmem:v22+s2+$0x0], $0xffff;
	v4 =	vadd.s32 $0x3FFC, v4;
	v18 =	vmul.f32 v9, v19;
	v11 =	vmul.f32 $3.945459380e+04, v1  }
0xd7: {  	v12 =	vadd.s32 $0x7, v8;
	v32 =	vmul.f32 v26, v60;
	v2 =	vmul.f32 v6, v3  }
0xd8: {  	v8 =	vld.idx.msk [tilespmem:v8+s2+$0x0], $0xffff;
	v62 =	vmul.f32 v26, v10;
	v24 =	vmul.f32 $-5.330284380e+05, v1;
	v6 =	vadd.f32 $3.862057810e+04, v11  }
0xd9: {  	v30 =	vmul.f32 $9.874022650e+04, v1;
	v16 =	vmul.f32 $3.948199380e+05, v1;
	v13 =	vadd.f32 $1.552760550e+04, v2  }
0xda: {  	v2 =	vand.u32 $0x3FFF, v4;
	v33 =	vadd.f32 $-7.052322500e+05, v24;
	v4 =	vmul.f32 v6, v1  }
0xdb: {  	v17 =	vmul.f32 v14, v17;
	v31 =	vmul.f32 v5, v3;
	v11 =	vadd.f32 $1.191977970e+05, v11  }
0xdc: {  	v3 =	vld.idx.msk [tilespmem:v20+s2+$0x0], $0xffff;
	v19 =	vadd.f32 $-2.354119380e+05, v30;
	v33 =	vmul.f32 v33, v1;
	v4 =	vadd.f32 $1.708826760e+04, v4  }
0xdd: {  	v36 =	vld.idx.msk [tilespmem:v20+s21+$0x0], $0xffff;
	v61 =	vadd.f32 $-5.743853750e+05, v16;
	v8 =	vmul.f32 v21, v8;
	v37 =	vadd.f32 $-1.426881630e+06, v24  }
0xde: {  	v5 =	vadd.s32 $0x2, v2;
	v33 =	vadd.f32 $1.277971380e+06, v33;
	v29 =	vmul.f32 v4, v1  }
0xdf: {  	v24 =	vadd.f32 $5.648523130e+05, v31;
	v10 =	vadd.s32 $0x5, v2;
	v31 =	vmul.f32 v61, v1  }
0xe0: {  	v20 =	vadd.f32 $2.483576900e+03, v29;
	v29 =	vadd.f32 $6.303728750e+05, v30;
	v30 =	vmul.f32 v33, v1  }
0xe1: {  	v26 =	vld.idx.msk [tilespmem:v22+s21+$0x0], $0xffff;
	v6 =	vadd.s32 $0x1, v2;
	v19 =	vmul.f32 v19, v1;
	v35 =	vmul.f32 v25, v3  }
0xe2: {  	v38 =	vadd.f32 $-3.643497750e+06, v31;
	v31 =	vmul.f32 v25, v36;
	v25 =	vld.idx.msk [tilespmem:v28+s21+$0x0], $0xffff;
	v30 =	vadd.f32 $-1.453845500e+06, v30  }
0xe3: {  	v37 =	vmul.f32 v37, v1;
	v8 =	vadd.f32 v32, v8;
	v21 =	vmul.f32 v20, v1;
	v20 =	vld.idx.msk [tilespmem:v23+s21+$0x0], $0xffff  }
0xe4: {  	v32 =	vadd.f32 v62, v34;
	v3 =	vadd.s32 $0x4, v2;
	v23 =	vld.idx.msk [tilespmem:v28+s2+$0x0], $0xffff;
	v63 =	vmul.f32 v30, v1  }
0xe5: {  	v4 =	vadd.s32 $0x3, v2;
	v28 =	vadd.f32 $1.954972970e+05, v37;
	v22 =	vmul.f32 v29, v1;
	v29 =	vld.idx.msk [tilespmem:v27+s21+$0x0], $0xffff  }
0xe6: {  	s30 =	simm.s32 $0x80;
	v27 =	vmul.f32 v38, v1;
	v30 =	vadd.f32 v8, v35;
	v8 =	vadd.f32 $5.642270000e+05, v63  }
.LBB2_4:
0xe7: {  	s1 =	sshra.s32 s30, $0x2;
	p0 =	sne.s32 s30, $0x7FC0;
	s30 =	sadd.s32 $0x40, s30;
	v16 =	vadd.f32 $2.153665000e+06, v16;
	v28 =	vmul.f32 v28, v1;
	v14 =	vmul.f32 v14, v26;
	v26 =	vld.idx.msk [tilespmem:v12+s2+$0x0], $0xffff  }
0xe8: {  	v25 =	vmul.f32 v24, v25;
	v33 =	vld [tilespmem:s1+$0xA100];
	v27 =	vadd.f32 $-3.515712110e+04, v27;
	v31 =	vadd.f32 v32, v31  }
0xe9: {  	v23 =	vmul.f32 v24, v23;
	v16 =	vmul.f32 v16, v1;
	v28 =	vadd.f32 $3.993371000e+06, v28  }
0xea: {  	v9 =	vmul.f32 v9, v29;
	v24 =	vmul.f32 v27, v1;
	v14 =	vadd.f32 v31, v14  }
0xeb: {  	v19 =	vadd.f32 $1.338457190e+05, v19;
	v17 =	vadd.f32 v30, v17;
	v27 =	vmul.f32 v28, v1;
	v12 =	vld.idx.msk [tilespmem:v12+s21+$0x0], $0xffff  }
0xec: {  	v21 =	vadd.f32 $8.889943700e+01, v21;
	v7 =	vmul.f32 v7, v20;
	v9 =	vadd.f32 v14, v9  }
0xed: {  	v17 =	vadd.f32 v17, v18;
	v16 =	vadd.f32 $4.485779690e+05, v16;
	v14 =	vmul.f32 v19, v1  }
0xee: {  	v11 =	vmul.f32 v11, v1;
	v18 =	vmul.f32 v13, v26;
	v9 =	vadd.f32 v9, v7  }
0xef: {  	v15 =	vadd.f32 v17, v15;
	v16 =	vmul.f32 v16, v1;
	v7 =	vadd.f32 $3.468247750e+06, v27  }
0xf0: {  	v17 =	vmul.f32 $1.638400000e+04, v33;
	v14 =	vadd.f32 $-8.139252340e+04, v14;
	v19 =	vadd.f32 v9, v25  }
0xf1: {  	v15 =	vadd.f32 v15, v23;
	v16 =	vadd.f32 $-3.949402500e+06, v16;
	v12 =	vmul.f32 v12, v13  }
0xf2: {  	v11 =	vadd.f32 $1.379540940e+05, v11;
	v13 =	vtrunc.f32 v17;
	v9 =	vadd.f32 $6.108476000e+06, v24  }
0xf3: {  	v20 =	vcvt.f32.s32 v13;
	vm0 =	vgt.f32 v17, v13;
	v13 =	vadd.f32 v15, v18  }
0xf4: {  	v18 =	vadd.f32 $1.432522880e+06, v22;
	v15 =	vsel vm0, $0x1, v0;
	v12 =	vadd.f32 v19, v12  }
0xf5: {  	v19 =	vmul.f32 v14, v1;
	v14 =	vmul.f32 v16, v1;
	v15 =	vadd.s32 v20, v15;
	[tilespmem:s29+$0xE100] =	vst v13  }
0xf6: {  	v16 =	vmul.f32 v18, v1;
	v13 =	vcvt.s32.f32 v15;
	v15 =	vadd.s32 $0x3FFC, v15;
	[tilespmem:s29+$0x12100] =	vst v12;
	s29 =	smov.u32 s28;
	s28 =	smov.u32 s1  }
0xf7: {  	v11 =	vmul.f32 v11, v1;
	v18 =	vld.idx.msk [tilespmem:v10+s2+$0x0], $0xffff  }
0xf8: {  	v13 =	vsub.f32 v17, v13;
	v17 =	vld.idx.msk [tilespmem:v4+s2+$0x0], $0xffff  }
0xf9: {  	v11 =	vadd.f32 $7.364960150e+04, v11;
	v25 =	vadd.s32 $0x6, v2;
	v12 =	vadd.s32 $0x7, v2;
	v22 =	vld.idx.msk [tilespmem:v6+s2+$0x0], $0xffff  }
0xfa: {  	v14 =	vadd.f32 $3.469340750e+06, v14;
	v16 =	vadd.f32 $1.450280630e+06, v16;
	v20 =	vmul.f32 $3.945459380e+04, v13;
	v23 =	vld.idx.msk [tilespmem:v3+s2+$0x0], $0xffff  }
0xfb: {  	v27 =	vadd.f32 $1.546192290e+04, v19;
	v19 =	vmul.f32 v11, v1;
	v24 =	vmul.f32 $-5.330284380e+05, v13;
	v26 =	vld.idx.msk [tilespmem:v2+s21+$0x0], $0xffff  }
0xfc: {  	v31 =	vmul.f32 v16, v1;
	v29 =	vmul.f32 $9.874022650e+04, v13;
	v1 =	vmovc v13;
	v28 =	vadd.f32 $3.862057810e+04, v20;
	v30 =	vld.idx.msk [tilespmem:v5+s2+$0x0], $0xffff  }
0xfd: {  	v13 =	vadd.f32 $1.552760550e+04, v19;
	v16 =	vmul.f32 $3.948199380e+05, v1;
	v11 =	vadd.f32 $1.191977970e+05, v20  }
0xfe: {  	v19 =	vmul.f32 v28, v1;
	v17 =	vmul.f32 v14, v17;
	v28 =	vld.idx.msk [tilespmem:v2+s2+$0x0], $0xffff;
	v2 =	vand.u32 $0x3FFF, v15  }
0xff: {  	v33 =	vadd.f32 $-7.052322500e+05, v24;
	v15 =	vmul.f32 v7, v18;
	v32 =	vadd.s32 $0x1, v2;
	v20 =	vld.idx.msk [tilespmem:v10+s21+$0x0], $0xffff  }
0x100: {  	v10 =	vadd.f32 $1.708826760e+04, v19;
	v34 =	vadd.s32 $0x2, v2;
	v18 =	vmul.f32 v9, v23  }
0x101: {  	v33 =	vmul.f32 v33, v1;
	v19 =	vadd.f32 $-2.354119380e+05, v29;
	v35 =	vmul.f32 v21, v26;
	v36 =	vld.idx.msk [tilespmem:v6+s21+$0x0], $0xffff;
	v6 =	vmovc v32  }
0x102: {  	v10 =	vmul.f32 v10, v1;
	v32 =	vadd.s32 $0x3, v2;
	v30 =	vmul.f32 v8, v30;
	v23 =	vld.idx.msk [tilespmem:v25+s2+$0x0], $0xffff  }
0x103: {  	v22 =	vmul.f32 v27, v22;
	v26 =	vadd.f32 $1.277971380e+06, v33;
	v19 =	vmul.f32 v19, v1;
	v33 =	vld.idx.msk [tilespmem:v5+s21+$0x0], $0xffff;
	v5 =	vmovc v34  }
0x104: {  	v37 =	vadd.f32 $6.303728750e+05, v29;
	v10 =	vadd.f32 $2.483576900e+03, v10;
	v34 =	vadd.s32 $0x4, v2  }
0x105: {  	v38 =	vadd.f32 $-5.743853750e+05, v16;
	v29 =	vmul.f32 v26, v1;
	v28 =	vmul.f32 v21, v28  }
0x106: {  	v21 =	vmul.f32 v10, v1;
	v10 =	vadd.f32 $-1.426881630e+06, v24;
	v24 =	vadd.f32 $5.648523130e+05, v31;
	v26 =	vld.idx.msk [tilespmem:v4+s21+$0x0], $0xffff;
	v4 =	vmovc v32  }
.Ltmp1:
0x107: {  	v29 =	vadd.f32 $-1.453845500e+06, v29;
	v31 =	vmul.f32 v38, v1;
	v32 =	vmul.f32 v27, v36;
	v25 =	vld.idx.msk [tilespmem:v25+s21+$0x0], $0xffff;
	(pc) =	sbr.rel @p0 .LBB2_4-.Ltmp1, $4  }
0x108: {  	v36 =	vadd.f32 v22, v28;
	v27 =	vmul.f32 v10, v1;
	v10 =	vadd.s32 $0x5, v2  }
0x109: {  	v38 =	vmul.f32 v29, v1;
	v39 =	vadd.f32 $-3.643497750e+06, v31;
	v31 =	vmul.f32 v8, v33;
	v29 =	vld.idx.msk [tilespmem:v3+s21+$0x0], $0xffff;
	v3 =	vmovc v34  }
0x10a: {  	v22 =	vmul.f32 v37, v1;
	v30 =	vadd.f32 v36, v30;
	v28 =	vadd.f32 $1.954972970e+05, v27  }
0x10b: {  	v8 =	vadd.f32 $5.642270000e+05, v38;
	v32 =	vadd.f32 v32, v35;
	v27 =	vmul.f32 v39, v1  }
0x10c: {  	_ =	sdelay $0x1  }
0x10d: {  	v14 =	vmul.f32 v14, v26;
	v26 =	vadd.f32 v32, v31  }
0x10e: {  	v17 =	vadd.f32 v30, v17  }
0x10f: {  	v30 =	vld.idx.msk [tilespmem:v12+s2+$0x0], $0xffff;
	v9 =	vmul.f32 v9, v29;
	v14 =	vadd.f32 v26, v14  }
0x110: {  	v12 =	vld.idx.msk [tilespmem:v12+s21+$0x0], $0xffff;
	v17 =	vadd.f32 v17, v18  }
0x111: {  	v7 =	vmul.f32 v7, v20;
	v9 =	vadd.f32 v14, v9  }
0x112: {  	v15 =	vadd.f32 v17, v15;
	v14 =	vmul.f32 v24, v23  }
0x113: {  	v17 =	vmul.f32 v24, v25;
	v7 =	vadd.f32 v9, v7  }
0x114: {  	v9 =	vmul.f32 v13, v30;
	v14 =	vadd.f32 v15, v14  }
0x115: {  	v12 =	vmul.f32 v12, v13;
	v7 =	vadd.f32 v7, v17  }
0x116: {  	v13 =	vadd.f32 $2.153665000e+06, v16;
	v9 =	vadd.f32 v14, v9  }
0x117: {  	v15 =	vadd.f32 $1.338457190e+05, v19;
	v7 =	vadd.f32 v7, v12  }
0x118: {  	v14 =	vmul.f32 v28, v1;
	v12 =	vmul.f32 v13, v1;
	[tilespmem:s29+$0xE100] =	vst v9  }
0x119: {  	v13 =	vmul.f32 v15, v1;
	[tilespmem:s29+$0x12100] =	vst v7  }
0x11a: {  	v11 =	vmul.f32 v11, v1;
	v9 =	vadd.f32 $3.993371000e+06, v14;
	v12 =	vadd.f32 $4.485779690e+05, v12;
	v14 =	vld.idx.msk [tilespmem:v6+s2+$0x0], $0xffff  }
0x11b: {  	v18 =	vadd.f32 $1.432522880e+06, v22;
	v13 =	vadd.f32 $-8.139252340e+04, v13;
	v15 =	vld.idx.msk [tilespmem:v2+s21+$0x0], $0xffff  }
0x11c: {  	v11 =	vadd.f32 $1.379540940e+05, v11;
	v16 =	vld.idx.msk [tilespmem:v2+s2+$0x0], $0xffff;
	v12 =	vmul.f32 v12, v1  }
0x11d: {  	v18 =	vmul.f32 v18, v1;
	v6 =	vld.idx.msk [tilespmem:v6+s21+$0x0], $0xffff;
	v13 =	vmul.f32 v13, v1  }
0x11e: {  	v11 =	vmul.f32 v11, v1;
	v7 =	vadd.f32 $-3.515712110e+04, v27;
	v19 =	vld.idx.msk [tilespmem:v5+s2+$0x0], $0xffff;
	v12 =	vadd.f32 $-3.949402500e+06, v12  }
0x11f: {  	v17 =	vadd.f32 $8.889943700e+01, v21;
	v9 =	vmul.f32 v9, v1;
	v5 =	vld.idx.msk [tilespmem:v5+s21+$0x0], $0xffff;
	v13 =	vadd.f32 $1.546192290e+04, v13  }
0x120: {  	v11 =	vadd.f32 $7.364960150e+04, v11;
	v20 =	vld.idx.msk [tilespmem:v4+s2+$0x0], $0xffff;
	v7 =	vmul.f32 v7, v1;
	v12 =	vmul.f32 v12, v1  }
0x121: {  	v21 =	vadd.s32 $0x6, v2;
	v4 =	vld.idx.msk [tilespmem:v4+s21+$0x0], $0xffff;
	v14 =	vmul.f32 v13, v14;
	v16 =	vmul.f32 v17, v16  }
0x122: {  	v2 =	vadd.s32 $0x7, v2;
	v22 =	vld.idx.msk [tilespmem:v3+s2+$0x0], $0xffff;
	v15 =	vmul.f32 v17, v15;
	v6 =	vmul.f32 v13, v6  }
0x123: {  	v3 =	vld.idx.msk [tilespmem:v3+s21+$0x0], $0xffff;
	v13 =	vmul.f32 v8, v19;
	v12 =	vadd.f32 $3.469340750e+06, v12;
	v14 =	vadd.f32 v14, v16  }
0x124: {  	v7 =	vadd.f32 $6.108476000e+06, v7;
	v5 =	vmul.f32 v8, v5;
	v16 =	vld.idx.msk [tilespmem:v10+s2+$0x0], $0xffff;
	v6 =	vadd.f32 v6, v15  }
0x125: {  	v8 =	vadd.f32 $1.450280630e+06, v18;
	v10 =	vld.idx.msk [tilespmem:v10+s21+$0x0], $0xffff;
	v15 =	vmul.f32 v12, v20;
	v13 =	vadd.f32 v14, v13  }
0x126: {  	v9 =	vadd.f32 $3.468247750e+06, v9;
	v14 =	vld.idx.msk [tilespmem:v21+s2+$0x0], $0xffff;
	v4 =	vmul.f32 v12, v4;
	v5 =	vadd.f32 v6, v5  }
0x127: {  	v6 =	vmul.f32 v8, v1;
	v8 =	vmul.f32 v7, v22;
	v12 =	vld.idx.msk [tilespmem:v21+s21+$0x0], $0xffff;
	v13 =	vadd.f32 v13, v15  }
0x128: {  	v3 =	vmul.f32 v7, v3;
	v1 =	vmul.f32 v11, v1;
	v11 =	vld.idx.msk [tilespmem:v2+s2+$0x0], $0xffff;
	v4 =	vadd.f32 v5, v4  }
0x129: {  	v2 =	vld.idx.msk [tilespmem:v2+s21+$0x0], $0xffff;
	v6 =	vadd.f32 $5.648523130e+05, v6;
	v5 =	vmul.f32 v9, v16;
	v7 =	vadd.f32 v13, v8  }
0x12a: {  	v3 =	vadd.f32 v4, v3;
	v4 =	vmul.f32 v9, v10  }
0x12b: {  	v1 =	vadd.f32 $1.552760550e+04, v1;
	v8 =	vmul.f32 v6, v14;
	v5 =	vadd.f32 v7, v5  }
0x12c: {  	v6 =	vmul.f32 v6, v12;
	v3 =	vadd.f32 v3, v4  }
0x12d: {  	v4 =	vmul.f32 v1, v11;
	v5 =	vadd.f32 v5, v8  }
0x12e: {  	v1 =	vmul.f32 v2, v1;
	v3 =	vadd.f32 v3, v6  }
0x12f: {  	v2 =	vadd.f32 v5, v4  }
0x130: {  	v1 =	vadd.f32 v3, v1  }
0x131: {  	[tilespmem:s28+$0xE100] =	vst v2  }
0x132: {  	s1 =	simm.s32 $0xE100;
	[tilespmem:s28+$0x12100] =	vst v1  }
0x133: {  	[hbm4b:s11+s19] =	stream.strided.scatter [tilespmem:s1], [sflag:$0x6], $0x2000, s20, s19, $0x38;
	[tilespmem:$0x14100] =	vst v63  }
0x134: {  	_ = 	snop  }
0x135: {  	[hbm4b:s12+s19] =	stream.strided.scatter [tilespmem:s0], [sflag:$0x6], $0x2000, s20, s19, $0x38;
	[tilespmem:$0x14100] =	vst v63  }
0x136: {  	_ =	swait.ge [sflag:s26], $0x2000  }
0x137: {  	[sflag:s26] =	ssyncset.done $0x0  }
0x138: {  	s1 =	simm.s32 $0xA100;
	[sflag:s26] =	ssyncadd.s32 $0xFFFFE000  }
0x139: {  	[tilespmem:s1], [sflag:$0x4] =	stream.strided.gather [hbm4b:s13+s19], $0x2000, s20, s19, $0x38;
	[tilespmem:$0x14100] =	vst v63  }
0x13a: {  	_ =	swait.ge [sflag:s22], $0x2000  }
0x13b: {  	[sflag:s22] =	ssyncset.done $0x0  }
0x13c: {  	[sflag:s22] =	ssyncadd.s32 $0xFFFFE000  }
0x13d: {  	_ =	swait.ge [sflag:s22], $0x2000  }
0x13e: {  	[sflag:s22] =	ssyncset.done $0x0  }
0x13f: {  	s29 =	simm.s32 $0x0;
	[sflag:s22] =	ssyncadd.s32 $0xFFFFE000  }
0x140: {  	v1 =	vld [tilespmem:s29+$0x8100];
	_ =	sdelay $0x4  }
0x141: {  	v1 =	vmul.f32 $1.638400000e+04, v1;
	_ =	sdelay $0x1  }
0x142: {  	v2 =	vtrunc.f32 v1  }
0x143: {  	v3 =	vcvt.f32.s32 v2;
	vm0 =	vgt.f32 v1, v2  }
0x144: {  	v2 =	vsel vm0, $0x1, v0  }
0x145: {  	v2 =	vadd.s32 v3, v2  }
0x146: {  	v3 =	vcvt.s32.f32 v2;
	_ =	sdelay $0x1  }
0x147: {  	v2 =	vadd.s32 $0x3FFC, v2;
	v3 =	vsub.f32 v1, v3  }
0x148: {  	v8 =	vand.u32 $0x3FFF, v2  }
0x149: {  	v10 =	vadd.s32 $0x1, v8;
	v20 =	vadd.s32 $0x2, v8;
	v1 =	vmul.f32 $3.945459380e+04, v3  }
0x14a: {  	v27 =	vadd.s32 $0x4, v8;
	v6 =	vmul.f32 $3.948199380e+05, v3;
	v7 =	vmul.f32 $9.874022650e+04, v3  }
0x14b: {  	v4 =	vmul.f32 $-5.330284380e+05, v3;
	v5 =	vadd.f32 $3.862057810e+04, v1;
	v1 =	vadd.f32 $1.191977970e+05, v1  }
0x14c: {  	v23 =	vadd.s32 $0x5, v8;
	v9 =	vadd.f32 $-5.743853750e+05, v6;
	v11 =	vadd.f32 $-2.354119380e+05, v7  }
0x14d: {  	v7 =	vadd.f32 $6.303728750e+05, v7;
	v2 =	vmul.f32 v5, v3;
	v5 =	vadd.f32 $-7.052322500e+05, v4  }
0x14e: {  	v6 =	vadd.f32 $2.153665000e+06, v6;
	v4 =	vadd.f32 $-1.426881630e+06, v4;
	v9 =	vmul.f32 v9, v3  }
0x14f: {  	s28 =	simm.s32 $0x10;
	v11 =	vmul.f32 v11, v3;
	v2 =	vadd.f32 $1.708826760e+04, v2;
	v5 =	vmul.f32 v5, v3  }
0x150: {  	v12 =	vld [tilespmem:s28+$0x8100];
	v13 =	vmul.f32 v7, v3;
	v4 =	vmul.f32 v4, v3;
	v9 =	vadd.f32 $-3.643497750e+06, v9  }
0x151: {  	v6 =	vmul.f32 v6, v3;
	v2 =	vmul.f32 v2, v3;
	v5 =	vadd.f32 $1.277971380e+06, v5  }
0x152: {  	v1 =	vmul.f32 v1, v3;
	v4 =	vadd.f32 $1.954972970e+05, v4;
	v9 =	vmul.f32 v9, v3  }
0x153: {  	v6 =	vadd.f32 $4.485779690e+05, v6;
	v2 =	vadd.f32 $2.483576900e+03, v2;
	v5 =	vmul.f32 v5, v3  }
0x154: {  	v4 =	vmul.f32 v4, v3;
	v7 =	vadd.f32 $-3.515712110e+04, v9;
	v9 =	vadd.f32 $1.338457190e+05, v11  }
0x155: {  	v11 =	vmul.f32 $1.638400000e+04, v12;
	v2 =	vmul.f32 v2, v3;
	v5 =	vadd.f32 $-1.453845500e+06, v5  }
0x156: {  	v6 =	vmul.f32 v6, v3;
	v4 =	vadd.f32 $3.993371000e+06, v4;
	v9 =	vmul.f32 v9, v3  }
0x157: {  	v5 =	vmul.f32 v5, v3;
	v21 =	vadd.f32 $8.889943700e+01, v2;
	v2 =	vtrunc.f32 v11  }
0x158: {  	v22 =	vadd.s32 $0x3, v8;
	v4 =	vmul.f32 v4, v3;
	v12 =	vcvt.f32.s32 v2  }
0x159: {  	vm15 =	vgt.f32 v11, v2;
	v2 =	vadd.f32 $-8.139252340e+04, v9;
	v25 =	vadd.f32 $5.642270000e+05, v5  }
0x15a: {  	v29 =	vld.idx.msk [tilespmem:v8+s21+$0x0], $0xffff;
	v5 =	vmul.f32 v7, v3;
	v7 =	vadd.f32 $3.468247750e+06, v4;
	v4 =	vsel vm15, $0x1, v0  }
0x15b: {  	v18 =	vld.idx.msk [tilespmem:v23+s2+$0x0], $0xffff;
	v1 =	vadd.f32 $1.379540940e+05, v1;
	v6 =	vadd.f32 $-3.949402500e+06, v6;
	v4 =	vadd.s32 v12, v4  }
0x15c: {  	v19 =	vld.idx.msk [tilespmem:v27+s2+$0x0], $0xffff;
	v12 =	vadd.f32 $1.432522880e+06, v13;
	v2 =	vmul.f32 v2, v3;
	v13 =	vcvt.s32.f32 v4  }
0x15d: {  	v60 =	vld.idx.msk [tilespmem:v10+s2+$0x0], $0xffff;
	v9 =	vadd.f32 $6.108476000e+06, v5;
	v5 =	vmul.f32 v6, v3;
	v6 =	vmul.f32 v1, v3  }
0x15e: {  	v28 =	vadd.s32 $0x6, v8;
	v10 =	vld.idx.msk [tilespmem:v10+s21+$0x0], $0xffff;
	v15 =	vmul.f32 v12, v3;
	v26 =	vadd.f32 $1.546192290e+04, v2  }
0x15f: {  	v34 =	vmul.f32 v21, v29;
	v1 =	vsub.f32 v11, v13;
	v6 =	vadd.f32 $7.364960150e+04, v6  }
0x160: {  	v14 =	vadd.f32 $3.469340750e+06, v5;
	v5 =	vadd.f32 $1.450280630e+06, v15;
	v15 =	vmul.f32 v7, v18  }
0x161: {  	v17 =	vld.idx.msk [tilespmem:v22+s2+$0x0], $0xffff;
	v4 =	vadd.s32 $0x3FFC, v4;
	v18 =	vmul.f32 v9, v19;
	v11 =	vmul.f32 $3.945459380e+04, v1  }
0x162: {  	v12 =	vadd.s32 $0x7, v8;
	v32 =	vmul.f32 v26, v60;
	v2 =	vmul.f32 v6, v3  }
0x163: {  	v8 =	vld.idx.msk [tilespmem:v8+s2+$0x0], $0xffff;
	v62 =	vmul.f32 v26, v10;
	v24 =	vmul.f32 $-5.330284380e+05, v1;
	v6 =	vadd.f32 $3.862057810e+04, v11  }
0x164: {  	v30 =	vmul.f32 $9.874022650e+04, v1;
	v16 =	vmul.f32 $3.948199380e+05, v1;
	v13 =	vadd.f32 $1.552760550e+04, v2  }
0x165: {  	v2 =	vand.u32 $0x3FFF, v4;
	v33 =	vadd.f32 $-7.052322500e+05, v24;
	v4 =	vmul.f32 v6, v1  }
0x166: {  	v17 =	vmul.f32 v14, v17;
	v31 =	vmul.f32 v5, v3;
	v11 =	vadd.f32 $1.191977970e+05, v11  }
0x167: {  	v3 =	vld.idx.msk [tilespmem:v20+s2+$0x0], $0xffff;
	v19 =	vadd.f32 $-2.354119380e+05, v30;
	v33 =	vmul.f32 v33, v1;
	v4 =	vadd.f32 $1.708826760e+04, v4  }
0x168: {  	v36 =	vld.idx.msk [tilespmem:v20+s21+$0x0], $0xffff;
	v61 =	vadd.f32 $-5.743853750e+05, v16;
	v8 =	vmul.f32 v21, v8;
	v37 =	vadd.f32 $-1.426881630e+06, v24  }
0x169: {  	v5 =	vadd.s32 $0x2, v2;
	v33 =	vadd.f32 $1.277971380e+06, v33;
	v29 =	vmul.f32 v4, v1  }
0x16a: {  	v24 =	vadd.f32 $5.648523130e+05, v31;
	v10 =	vadd.s32 $0x5, v2;
	v31 =	vmul.f32 v61, v1  }
0x16b: {  	v20 =	vadd.f32 $2.483576900e+03, v29;
	v29 =	vadd.f32 $6.303728750e+05, v30;
	v30 =	vmul.f32 v33, v1  }
0x16c: {  	v26 =	vld.idx.msk [tilespmem:v22+s21+$0x0], $0xffff;
	v6 =	vadd.s32 $0x1, v2;
	v19 =	vmul.f32 v19, v1;
	v35 =	vmul.f32 v25, v3  }
0x16d: {  	v38 =	vadd.f32 $-3.643497750e+06, v31;
	v31 =	vmul.f32 v25, v36;
	v25 =	vld.idx.msk [tilespmem:v28+s21+$0x0], $0xffff;
	v30 =	vadd.f32 $-1.453845500e+06, v30  }
0x16e: {  	v37 =	vmul.f32 v37, v1;
	v8 =	vadd.f32 v32, v8;
	v21 =	vmul.f32 v20, v1;
	v20 =	vld.idx.msk [tilespmem:v23+s21+$0x0], $0xffff  }
0x16f: {  	v32 =	vadd.f32 v62, v34;
	v3 =	vadd.s32 $0x4, v2;
	v23 =	vld.idx.msk [tilespmem:v28+s2+$0x0], $0xffff;
	v63 =	vmul.f32 v30, v1  }
0x170: {  	v4 =	vadd.s32 $0x3, v2;
	v28 =	vadd.f32 $1.954972970e+05, v37;
	v22 =	vmul.f32 v29, v1;
	v29 =	vld.idx.msk [tilespmem:v27+s21+$0x0], $0xffff  }
0x171: {  	s30 =	simm.s32 $0x80;
	v27 =	vmul.f32 v38, v1;
	v30 =	vadd.f32 v8, v35;
	v8 =	vadd.f32 $5.642270000e+05, v63  }
.LBB2_6:
0x172: {  	s1 =	sshra.s32 s30, $0x2;
	p0 =	sne.s32 s30, $0x7FC0;
	s30 =	sadd.s32 $0x40, s30;
	v16 =	vadd.f32 $2.153665000e+06, v16;
	v28 =	vmul.f32 v28, v1;
	v14 =	vmul.f32 v14, v26;
	v26 =	vld.idx.msk [tilespmem:v12+s2+$0x0], $0xffff  }
0x173: {  	v25 =	vmul.f32 v24, v25;
	v33 =	vld [tilespmem:s1+$0x8100];
	v27 =	vadd.f32 $-3.515712110e+04, v27;
	v31 =	vadd.f32 v32, v31  }
0x174: {  	v23 =	vmul.f32 v24, v23;
	v16 =	vmul.f32 v16, v1;
	v28 =	vadd.f32 $3.993371000e+06, v28  }
0x175: {  	v9 =	vmul.f32 v9, v29;
	v24 =	vmul.f32 v27, v1;
	v14 =	vadd.f32 v31, v14  }
0x176: {  	v19 =	vadd.f32 $1.338457190e+05, v19;
	v17 =	vadd.f32 v30, v17;
	v27 =	vmul.f32 v28, v1;
	v12 =	vld.idx.msk [tilespmem:v12+s21+$0x0], $0xffff  }
0x177: {  	v21 =	vadd.f32 $8.889943700e+01, v21;
	v7 =	vmul.f32 v7, v20;
	v9 =	vadd.f32 v14, v9  }
0x178: {  	v17 =	vadd.f32 v17, v18;
	v16 =	vadd.f32 $4.485779690e+05, v16;
	v14 =	vmul.f32 v19, v1  }
0x179: {  	v11 =	vmul.f32 v11, v1;
	v18 =	vmul.f32 v13, v26;
	v9 =	vadd.f32 v9, v7  }
0x17a: {  	v15 =	vadd.f32 v17, v15;
	v16 =	vmul.f32 v16, v1;
	v7 =	vadd.f32 $3.468247750e+06, v27  }
0x17b: {  	v17 =	vmul.f32 $1.638400000e+04, v33;
	v14 =	vadd.f32 $-8.139252340e+04, v14;
	v19 =	vadd.f32 v9, v25  }
0x17c: {  	v15 =	vadd.f32 v15, v23;
	v16 =	vadd.f32 $-3.949402500e+06, v16;
	v12 =	vmul.f32 v12, v13  }
0x17d: {  	v11 =	vadd.f32 $1.379540940e+05, v11;
	v13 =	vtrunc.f32 v17;
	v9 =	vadd.f32 $6.108476000e+06, v24  }
0x17e: {  	v20 =	vcvt.f32.s32 v13;
	vm0 =	vgt.f32 v17, v13;
	v13 =	vadd.f32 v15, v18  }
0x17f: {  	v18 =	vadd.f32 $1.432522880e+06, v22;
	v15 =	vsel vm0, $0x1, v0;
	v12 =	vadd.f32 v19, v12  }
0x180: {  	v19 =	vmul.f32 v14, v1;
	v14 =	vmul.f32 v16, v1;
	v15 =	vadd.s32 v20, v15;
	[tilespmem:s29+$0xC100] =	vst v13  }
0x181: {  	v16 =	vmul.f32 v18, v1;
	v13 =	vcvt.s32.f32 v15;
	v15 =	vadd.s32 $0x3FFC, v15;
	[tilespmem:s29+$0x10100] =	vst v12;
	s29 =	smov.u32 s28;
	s28 =	smov.u32 s1  }
0x182: {  	v11 =	vmul.f32 v11, v1;
	v18 =	vld.idx.msk [tilespmem:v10+s2+$0x0], $0xffff  }
0x183: {  	v13 =	vsub.f32 v17, v13;
	v17 =	vld.idx.msk [tilespmem:v4+s2+$0x0], $0xffff  }
0x184: {  	v11 =	vadd.f32 $7.364960150e+04, v11;
	v25 =	vadd.s32 $0x6, v2;
	v12 =	vadd.s32 $0x7, v2;
	v22 =	vld.idx.msk [tilespmem:v6+s2+$0x0], $0xffff  }
0x185: {  	v14 =	vadd.f32 $3.469340750e+06, v14;
	v16 =	vadd.f32 $1.450280630e+06, v16;
	v20 =	vmul.f32 $3.945459380e+04, v13;
	v23 =	vld.idx.msk [tilespmem:v3+s2+$0x0], $0xffff  }
0x186: {  	v27 =	vadd.f32 $1.546192290e+04, v19;
	v19 =	vmul.f32 v11, v1;
	v24 =	vmul.f32 $-5.330284380e+05, v13;
	v26 =	vld.idx.msk [tilespmem:v2+s21+$0x0], $0xffff  }
0x187: {  	v31 =	vmul.f32 v16, v1;
	v29 =	vmul.f32 $9.874022650e+04, v13;
	v1 =	vmovc v13;
	v28 =	vadd.f32 $3.862057810e+04, v20;
	v30 =	vld.idx.msk [tilespmem:v5+s2+$0x0], $0xffff  }
0x188: {  	v13 =	vadd.f32 $1.552760550e+04, v19;
	v16 =	vmul.f32 $3.948199380e+05, v1;
	v11 =	vadd.f32 $1.191977970e+05, v20  }
0x189: {  	v19 =	vmul.f32 v28, v1;
	v17 =	vmul.f32 v14, v17;
	v28 =	vld.idx.msk [tilespmem:v2+s2+$0x0], $0xffff;
	v2 =	vand.u32 $0x3FFF, v15  }
0x18a: {  	v33 =	vadd.f32 $-7.052322500e+05, v24;
	v15 =	vmul.f32 v7, v18;
	v32 =	vadd.s32 $0x1, v2;
	v20 =	vld.idx.msk [tilespmem:v10+s21+$0x0], $0xffff  }
0x18b: {  	v10 =	vadd.f32 $1.708826760e+04, v19;
	v34 =	vadd.s32 $0x2, v2;
	v18 =	vmul.f32 v9, v23  }
0x18c: {  	v33 =	vmul.f32 v33, v1;
	v19 =	vadd.f32 $-2.354119380e+05, v29;
	v35 =	vmul.f32 v21, v26;
	v36 =	vld.idx.msk [tilespmem:v6+s21+$0x0], $0xffff;
	v6 =	vmovc v32  }
0x18d: {  	v10 =	vmul.f32 v10, v1;
	v32 =	vadd.s32 $0x3, v2;
	v30 =	vmul.f32 v8, v30;
	v23 =	vld.idx.msk [tilespmem:v25+s2+$0x0], $0xffff  }
0x18e: {  	v22 =	vmul.f32 v27, v22;
	v26 =	vadd.f32 $1.277971380e+06, v33;
	v19 =	vmul.f32 v19, v1;
	v33 =	vld.idx.msk [tilespmem:v5+s21+$0x0], $0xffff;
	v5 =	vmovc v34  }
0x18f: {  	v37 =	vadd.f32 $6.303728750e+05, v29;
	v10 =	vadd.f32 $2.483576900e+03, v10;
	v34 =	vadd.s32 $0x4, v2  }
0x190: {  	v38 =	vadd.f32 $-5.743853750e+05, v16;
	v29 =	vmul.f32 v26, v1;
	v28 =	vmul.f32 v21, v28  }
0x191: {  	v21 =	vmul.f32 v10, v1;
	v10 =	vadd.f32 $-1.426881630e+06, v24;
	v24 =	vadd.f32 $5.648523130e+05, v31;
	v26 =	vld.idx.msk [tilespmem:v4+s21+$0x0], $0xffff;
	v4 =	vmovc v32  }
.Ltmp2:
0x192: {  	v29 =	vadd.f32 $-1.453845500e+06, v29;
	v31 =	vmul.f32 v38, v1;
	v32 =	vmul.f32 v27, v36;
	v25 =	vld.idx.msk [tilespmem:v25+s21+$0x0], $0xffff;
	(pc) =	sbr.rel @p0 .LBB2_6-.Ltmp2, $4  }
0x193: {  	v36 =	vadd.f32 v22, v28;
	v27 =	vmul.f32 v10, v1;
	v10 =	vadd.s32 $0x5, v2  }
0x194: {  	v38 =	vmul.f32 v29, v1;
	v39 =	vadd.f32 $-3.643497750e+06, v31;
	v31 =	vmul.f32 v8, v33;
	v29 =	vld.idx.msk [tilespmem:v3+s21+$0x0], $0xffff;
	v3 =	vmovc v34  }
0x195: {  	v22 =	vmul.f32 v37, v1;
	v30 =	vadd.f32 v36, v30;
	v28 =	vadd.f32 $1.954972970e+05, v27  }
0x196: {  	v8 =	vadd.f32 $5.642270000e+05, v38;
	v32 =	vadd.f32 v32, v35;
	v27 =	vmul.f32 v39, v1  }
0x197: {  	_ =	sdelay $0x1  }
0x198: {  	v14 =	vmul.f32 v14, v26;
	v26 =	vadd.f32 v32, v31  }
0x199: {  	v17 =	vadd.f32 v30, v17  }
0x19a: {  	v30 =	vld.idx.msk [tilespmem:v12+s2+$0x0], $0xffff;
	v9 =	vmul.f32 v9, v29;
	v14 =	vadd.f32 v26, v14  }
0x19b: {  	v12 =	vld.idx.msk [tilespmem:v12+s21+$0x0], $0xffff;
	v17 =	vadd.f32 v17, v18  }
0x19c: {  	v7 =	vmul.f32 v7, v20;
	v9 =	vadd.f32 v14, v9  }
0x19d: {  	v15 =	vadd.f32 v17, v15;
	v14 =	vmul.f32 v24, v23  }
0x19e: {  	v17 =	vmul.f32 v24, v25;
	v7 =	vadd.f32 v9, v7  }
0x19f: {  	v9 =	vmul.f32 v13, v30;
	v14 =	vadd.f32 v15, v14  }
0x1a0: {  	v12 =	vmul.f32 v12, v13;
	v7 =	vadd.f32 v7, v17  }
0x1a1: {  	v13 =	vadd.f32 $2.153665000e+06, v16;
	v9 =	vadd.f32 v14, v9  }
0x1a2: {  	v15 =	vadd.f32 $1.338457190e+05, v19;
	v7 =	vadd.f32 v7, v12  }
0x1a3: {  	v14 =	vmul.f32 v28, v1;
	v12 =	vmul.f32 v13, v1;
	[tilespmem:s29+$0xC100] =	vst v9  }
0x1a4: {  	v13 =	vmul.f32 v15, v1;
	[tilespmem:s29+$0x10100] =	vst v7  }
0x1a5: {  	v11 =	vmul.f32 v11, v1;
	v9 =	vadd.f32 $3.993371000e+06, v14;
	v12 =	vadd.f32 $4.485779690e+05, v12;
	v14 =	vld.idx.msk [tilespmem:v6+s2+$0x0], $0xffff  }
0x1a6: {  	v18 =	vadd.f32 $1.432522880e+06, v22;
	v13 =	vadd.f32 $-8.139252340e+04, v13;
	v15 =	vld.idx.msk [tilespmem:v2+s21+$0x0], $0xffff  }
0x1a7: {  	v11 =	vadd.f32 $1.379540940e+05, v11;
	v16 =	vld.idx.msk [tilespmem:v2+s2+$0x0], $0xffff;
	v12 =	vmul.f32 v12, v1  }
0x1a8: {  	v18 =	vmul.f32 v18, v1;
	v6 =	vld.idx.msk [tilespmem:v6+s21+$0x0], $0xffff;
	v13 =	vmul.f32 v13, v1  }
0x1a9: {  	v11 =	vmul.f32 v11, v1;
	v7 =	vadd.f32 $-3.515712110e+04, v27;
	v19 =	vld.idx.msk [tilespmem:v5+s2+$0x0], $0xffff;
	v12 =	vadd.f32 $-3.949402500e+06, v12  }
0x1aa: {  	v17 =	vadd.f32 $8.889943700e+01, v21;
	v9 =	vmul.f32 v9, v1;
	v5 =	vld.idx.msk [tilespmem:v5+s21+$0x0], $0xffff;
	v13 =	vadd.f32 $1.546192290e+04, v13  }
0x1ab: {  	v11 =	vadd.f32 $7.364960150e+04, v11;
	v20 =	vld.idx.msk [tilespmem:v4+s2+$0x0], $0xffff;
	v7 =	vmul.f32 v7, v1;
	v12 =	vmul.f32 v12, v1  }
0x1ac: {  	v21 =	vadd.s32 $0x6, v2;
	v4 =	vld.idx.msk [tilespmem:v4+s21+$0x0], $0xffff;
	v14 =	vmul.f32 v13, v14;
	v16 =	vmul.f32 v17, v16  }
0x1ad: {  	v2 =	vadd.s32 $0x7, v2;
	v22 =	vld.idx.msk [tilespmem:v3+s2+$0x0], $0xffff;
	v15 =	vmul.f32 v17, v15;
	v6 =	vmul.f32 v13, v6  }
0x1ae: {  	v3 =	vld.idx.msk [tilespmem:v3+s21+$0x0], $0xffff;
	v13 =	vmul.f32 v8, v19;
	v12 =	vadd.f32 $3.469340750e+06, v12;
	v14 =	vadd.f32 v14, v16  }
0x1af: {  	v7 =	vadd.f32 $6.108476000e+06, v7;
	v5 =	vmul.f32 v8, v5;
	v16 =	vld.idx.msk [tilespmem:v10+s2+$0x0], $0xffff;
	v6 =	vadd.f32 v6, v15  }
0x1b0: {  	v8 =	vadd.f32 $1.450280630e+06, v18;
	v10 =	vld.idx.msk [tilespmem:v10+s21+$0x0], $0xffff;
	v15 =	vmul.f32 v12, v20;
	v13 =	vadd.f32 v14, v13  }
0x1b1: {  	v9 =	vadd.f32 $3.468247750e+06, v9;
	v14 =	vld.idx.msk [tilespmem:v21+s2+$0x0], $0xffff;
	v4 =	vmul.f32 v12, v4;
	v5 =	vadd.f32 v6, v5  }
0x1b2: {  	v6 =	vmul.f32 v8, v1;
	v8 =	vmul.f32 v7, v22;
	v12 =	vld.idx.msk [tilespmem:v21+s21+$0x0], $0xffff;
	v13 =	vadd.f32 v13, v15  }
0x1b3: {  	v3 =	vmul.f32 v7, v3;
	v1 =	vmul.f32 v11, v1;
	v11 =	vld.idx.msk [tilespmem:v2+s2+$0x0], $0xffff;
	v4 =	vadd.f32 v5, v4  }
0x1b4: {  	v2 =	vld.idx.msk [tilespmem:v2+s21+$0x0], $0xffff;
	v6 =	vadd.f32 $5.648523130e+05, v6;
	v5 =	vmul.f32 v9, v16;
	v7 =	vadd.f32 v13, v8  }
0x1b5: {  	v3 =	vadd.f32 v4, v3;
	v4 =	vmul.f32 v9, v10  }
0x1b6: {  	v1 =	vadd.f32 $1.552760550e+04, v1;
	v8 =	vmul.f32 v6, v14;
	v5 =	vadd.f32 v7, v5  }
0x1b7: {  	v6 =	vmul.f32 v6, v12;
	v3 =	vadd.f32 v3, v4  }
0x1b8: {  	v4 =	vmul.f32 v1, v11;
	v5 =	vadd.f32 v5, v8  }
0x1b9: {  	v1 =	vmul.f32 v2, v1;
	v3 =	vadd.f32 v3, v6  }
0x1ba: {  	v2 =	vadd.f32 v5, v4  }
0x1bb: {  	v1 =	vadd.f32 v3, v1  }
0x1bc: {  	[tilespmem:s28+$0xC100] =	vst v2  }
0x1bd: {  	s1 =	simm.s32 $0xC100;
	[tilespmem:s28+$0x10100] =	vst v1  }
0x1be: {  	[hbm4b:s14+s19] =	stream.strided.scatter [tilespmem:s1], [sflag:$0x5], $0x2000, s20, s19, $0x38;
	[tilespmem:$0x14100] =	vst v63  }
0x1bf: {  	s1 =	simm.s32 $0x10100  }
0x1c0: {  	[hbm4b:s15+s19] =	stream.strided.scatter [tilespmem:s1], [sflag:$0x5], $0x2000, s20, s19, $0x38;
	[tilespmem:$0x14100] =	vst v63  }
0x1c1: {  	_ =	swait.ge [sflag:s31], $0x2000  }
0x1c2: {  	[sflag:s31] =	ssyncset.done $0x0  }
0x1c3: {  	[sflag:s31] =	ssyncadd.s32 $0xFFFFE000  }
0x1c4: {  	_ =	swait.ge [sflag:s23], $0x2000  }
0x1c5: {  	[sflag:s23] =	ssyncset.done $0x0  }
0x1c6: {  	[sflag:s23] =	ssyncadd.s32 $0xFFFFE000  }
0x1c7: {  	_ =	swait.ge [sflag:s23], $0x2000  }
0x1c8: {  	[sflag:s23] =	ssyncset.done $0x0  }
0x1c9: {  	s29 =	simm.s32 $0x0;
	[sflag:s23] =	ssyncadd.s32 $0xFFFFE000  }
0x1ca: {  	v1 =	vld [tilespmem:s29+$0xA100];
	_ =	sdelay $0x4  }
0x1cb: {  	v1 =	vmul.f32 $1.638400000e+04, v1;
	_ =	sdelay $0x1  }
0x1cc: {  	v2 =	vtrunc.f32 v1  }
0x1cd: {  	v3 =	vcvt.f32.s32 v2;
	vm0 =	vgt.f32 v1, v2  }
0x1ce: {  	v2 =	vsel vm0, $0x1, v0  }
0x1cf: {  	v2 =	vadd.s32 v3, v2  }
0x1d0: {  	v3 =	vcvt.s32.f32 v2;
	_ =	sdelay $0x1  }
0x1d1: {  	v2 =	vadd.s32 $0x3FFC, v2;
	v3 =	vsub.f32 v1, v3  }
0x1d2: {  	v8 =	vand.u32 $0x3FFF, v2  }
0x1d3: {  	v10 =	vadd.s32 $0x1, v8;
	v20 =	vadd.s32 $0x2, v8;
	v1 =	vmul.f32 $3.945459380e+04, v3  }
0x1d4: {  	v27 =	vadd.s32 $0x4, v8;
	v6 =	vmul.f32 $3.948199380e+05, v3;
	v7 =	vmul.f32 $9.874022650e+04, v3  }
0x1d5: {  	v4 =	vmul.f32 $-5.330284380e+05, v3;
	v5 =	vadd.f32 $3.862057810e+04, v1;
	v1 =	vadd.f32 $1.191977970e+05, v1  }
0x1d6: {  	v23 =	vadd.s32 $0x5, v8;
	v9 =	vadd.f32 $-5.743853750e+05, v6;
	v11 =	vadd.f32 $-2.354119380e+05, v7  }
0x1d7: {  	v7 =	vadd.f32 $6.303728750e+05, v7;
	v2 =	vmul.f32 v5, v3;
	v5 =	vadd.f32 $-7.052322500e+05, v4  }
0x1d8: {  	v6 =	vadd.f32 $2.153665000e+06, v6;
	v4 =	vadd.f32 $-1.426881630e+06, v4;
	v9 =	vmul.f32 v9, v3  }
0x1d9: {  	s28 =	simm.s32 $0x10;
	v11 =	vmul.f32 v11, v3;
	v2 =	vadd.f32 $1.708826760e+04, v2;
	v5 =	vmul.f32 v5, v3  }
0x1da: {  	v12 =	vld [tilespmem:s28+$0xA100];
	v13 =	vmul.f32 v7, v3;
	v4 =	vmul.f32 v4, v3;
	v9 =	vadd.f32 $-3.643497750e+06, v9  }
0x1db: {  	v6 =	vmul.f32 v6, v3;
	v2 =	vmul.f32 v2, v3;
	v5 =	vadd.f32 $1.277971380e+06, v5  }
0x1dc: {  	v1 =	vmul.f32 v1, v3;
	v4 =	vadd.f32 $1.954972970e+05, v4;
	v9 =	vmul.f32 v9, v3  }
0x1dd: {  	v6 =	vadd.f32 $4.485779690e+05, v6;
	v2 =	vadd.f32 $2.483576900e+03, v2;
	v5 =	vmul.f32 v5, v3  }
0x1de: {  	v4 =	vmul.f32 v4, v3;
	v7 =	vadd.f32 $-3.515712110e+04, v9;
	v9 =	vadd.f32 $1.338457190e+05, v11  }
0x1df: {  	v11 =	vmul.f32 $1.638400000e+04, v12;
	v2 =	vmul.f32 v2, v3;
	v5 =	vadd.f32 $-1.453845500e+06, v5  }
0x1e0: {  	v6 =	vmul.f32 v6, v3;
	v4 =	vadd.f32 $3.993371000e+06, v4;
	v9 =	vmul.f32 v9, v3  }
0x1e1: {  	v5 =	vmul.f32 v5, v3;
	v21 =	vadd.f32 $8.889943700e+01, v2;
	v2 =	vtrunc.f32 v11  }
0x1e2: {  	v22 =	vadd.s32 $0x3, v8;
	v4 =	vmul.f32 v4, v3;
	v12 =	vcvt.f32.s32 v2  }
0x1e3: {  	vm15 =	vgt.f32 v11, v2;
	v2 =	vadd.f32 $-8.139252340e+04, v9;
	v25 =	vadd.f32 $5.642270000e+05, v5  }
0x1e4: {  	v29 =	vld.idx.msk [tilespmem:v8+s21+$0x0], $0xffff;
	v5 =	vmul.f32 v7, v3;
	v7 =	vadd.f32 $3.468247750e+06, v4;
	v4 =	vsel vm15, $0x1, v0  }
0x1e5: {  	v18 =	vld.idx.msk [tilespmem:v23+s2+$0x0], $0xffff;
	v1 =	vadd.f32 $1.379540940e+05, v1;
	v6 =	vadd.f32 $-3.949402500e+06, v6;
	v4 =	vadd.s32 v12, v4  }
0x1e6: {  	v19 =	vld.idx.msk [tilespmem:v27+s2+$0x0], $0xffff;
	v12 =	vadd.f32 $1.432522880e+06, v13;
	v2 =	vmul.f32 v2, v3;
	v13 =	vcvt.s32.f32 v4  }
0x1e7: {  	v60 =	vld.idx.msk [tilespmem:v10+s2+$0x0], $0xffff;
	v9 =	vadd.f32 $6.108476000e+06, v5;
	v5 =	vmul.f32 v6, v3;
	v6 =	vmul.f32 v1, v3  }
0x1e8: {  	v28 =	vadd.s32 $0x6, v8;
	v10 =	vld.idx.msk [tilespmem:v10+s21+$0x0], $0xffff;
	v15 =	vmul.f32 v12, v3;
	v26 =	vadd.f32 $1.546192290e+04, v2  }
0x1e9: {  	v34 =	vmul.f32 v21, v29;
	v1 =	vsub.f32 v11, v13;
	v6 =	vadd.f32 $7.364960150e+04, v6  }
0x1ea: {  	v14 =	vadd.f32 $3.469340750e+06, v5;
	v5 =	vadd.f32 $1.450280630e+06, v15;
	v15 =	vmul.f32 v7, v18  }
0x1eb: {  	v17 =	vld.idx.msk [tilespmem:v22+s2+$0x0], $0xffff;
	v4 =	vadd.s32 $0x3FFC, v4;
	v18 =	vmul.f32 v9, v19;
	v11 =	vmul.f32 $3.945459380e+04, v1  }
0x1ec: {  	v12 =	vadd.s32 $0x7, v8;
	v32 =	vmul.f32 v26, v60;
	v2 =	vmul.f32 v6, v3  }
0x1ed: {  	v8 =	vld.idx.msk [tilespmem:v8+s2+$0x0], $0xffff;
	v62 =	vmul.f32 v26, v10;
	v24 =	vmul.f32 $-5.330284380e+05, v1;
	v6 =	vadd.f32 $3.862057810e+04, v11  }
0x1ee: {  	v30 =	vmul.f32 $9.874022650e+04, v1;
	v16 =	vmul.f32 $3.948199380e+05, v1;
	v13 =	vadd.f32 $1.552760550e+04, v2  }
0x1ef: {  	v2 =	vand.u32 $0x3FFF, v4;
	v33 =	vadd.f32 $-7.052322500e+05, v24;
	v4 =	vmul.f32 v6, v1  }
0x1f0: {  	v17 =	vmul.f32 v14, v17;
	v31 =	vmul.f32 v5, v3;
	v11 =	vadd.f32 $1.191977970e+05, v11  }
0x1f1: {  	v3 =	vld.idx.msk [tilespmem:v20+s2+$0x0], $0xffff;
	v19 =	vadd.f32 $-2.354119380e+05, v30;
	v33 =	vmul.f32 v33, v1;
	v4 =	vadd.f32 $1.708826760e+04, v4  }
0x1f2: {  	v36 =	vld.idx.msk [tilespmem:v20+s21+$0x0], $0xffff;
	v61 =	vadd.f32 $-5.743853750e+05, v16;
	v8 =	vmul.f32 v21, v8;
	v37 =	vadd.f32 $-1.426881630e+06, v24  }
0x1f3: {  	v5 =	vadd.s32 $0x2, v2;
	v33 =	vadd.f32 $1.277971380e+06, v33;
	v29 =	vmul.f32 v4, v1  }
0x1f4: {  	v24 =	vadd.f32 $5.648523130e+05, v31;
	v10 =	vadd.s32 $0x5, v2;
	v31 =	vmul.f32 v61, v1  }
0x1f5: {  	v20 =	vadd.f32 $2.483576900e+03, v29;
	v29 =	vadd.f32 $6.303728750e+05, v30;
	v30 =	vmul.f32 v33, v1  }
0x1f6: {  	v26 =	vld.idx.msk [tilespmem:v22+s21+$0x0], $0xffff;
	v6 =	vadd.s32 $0x1, v2;
	v19 =	vmul.f32 v19, v1;
	v35 =	vmul.f32 v25, v3  }
0x1f7: {  	v38 =	vadd.f32 $-3.643497750e+06, v31;
	v31 =	vmul.f32 v25, v36;
	v25 =	vld.idx.msk [tilespmem:v28+s21+$0x0], $0xffff;
	v30 =	vadd.f32 $-1.453845500e+06, v30  }
0x1f8: {  	v37 =	vmul.f32 v37, v1;
	v8 =	vadd.f32 v32, v8;
	v21 =	vmul.f32 v20, v1;
	v20 =	vld.idx.msk [tilespmem:v23+s21+$0x0], $0xffff  }
0x1f9: {  	v32 =	vadd.f32 v62, v34;
	v3 =	vadd.s32 $0x4, v2;
	v23 =	vld.idx.msk [tilespmem:v28+s2+$0x0], $0xffff;
	v63 =	vmul.f32 v30, v1  }
0x1fa: {  	v4 =	vadd.s32 $0x3, v2;
	v28 =	vadd.f32 $1.954972970e+05, v37;
	v22 =	vmul.f32 v29, v1;
	v29 =	vld.idx.msk [tilespmem:v27+s21+$0x0], $0xffff  }
0x1fb: {  	s30 =	simm.s32 $0x80;
	v27 =	vmul.f32 v38, v1;
	v30 =	vadd.f32 v8, v35;
	v8 =	vadd.f32 $5.642270000e+05, v63  }
.LBB2_8:
0x1fc: {  	s1 =	sshra.s32 s30, $0x2;
	p0 =	sne.s32 s30, $0x7FC0;
	s30 =	sadd.s32 $0x40, s30;
	v16 =	vadd.f32 $2.153665000e+06, v16;
	v28 =	vmul.f32 v28, v1;
	v14 =	vmul.f32 v14, v26;
	v26 =	vld.idx.msk [tilespmem:v12+s2+$0x0], $0xffff  }
0x1fd: {  	v25 =	vmul.f32 v24, v25;
	v33 =	vld [tilespmem:s1+$0xA100];
	v27 =	vadd.f32 $-3.515712110e+04, v27;
	v31 =	vadd.f32 v32, v31  }
0x1fe: {  	v23 =	vmul.f32 v24, v23;
	v16 =	vmul.f32 v16, v1;
	v28 =	vadd.f32 $3.993371000e+06, v28  }
0x1ff: {  	v9 =	vmul.f32 v9, v29;
	v24 =	vmul.f32 v27, v1;
	v14 =	vadd.f32 v31, v14  }
0x200: {  	v19 =	vadd.f32 $1.338457190e+05, v19;
	v17 =	vadd.f32 v30, v17;
	v27 =	vmul.f32 v28, v1;
	v12 =	vld.idx.msk [tilespmem:v12+s21+$0x0], $0xffff  }
0x201: {  	v21 =	vadd.f32 $8.889943700e+01, v21;
	v7 =	vmul.f32 v7, v20;
	v9 =	vadd.f32 v14, v9  }
0x202: {  	v17 =	vadd.f32 v17, v18;
	v16 =	vadd.f32 $4.485779690e+05, v16;
	v14 =	vmul.f32 v19, v1  }
0x203: {  	v11 =	vmul.f32 v11, v1;
	v18 =	vmul.f32 v13, v26;
	v9 =	vadd.f32 v9, v7  }
0x204: {  	v15 =	vadd.f32 v17, v15;
	v16 =	vmul.f32 v16, v1;
	v7 =	vadd.f32 $3.468247750e+06, v27  }
0x205: {  	v17 =	vmul.f32 $1.638400000e+04, v33;
	v14 =	vadd.f32 $-8.139252340e+04, v14;
	v19 =	vadd.f32 v9, v25  }
0x206: {  	v15 =	vadd.f32 v15, v23;
	v16 =	vadd.f32 $-3.949402500e+06, v16;
	v12 =	vmul.f32 v12, v13  }
0x207: {  	v11 =	vadd.f32 $1.379540940e+05, v11;
	v13 =	vtrunc.f32 v17;
	v9 =	vadd.f32 $6.108476000e+06, v24  }
0x208: {  	v20 =	vcvt.f32.s32 v13;
	vm0 =	vgt.f32 v17, v13;
	v13 =	vadd.f32 v15, v18  }
0x209: {  	v18 =	vadd.f32 $1.432522880e+06, v22;
	v15 =	vsel vm0, $0x1, v0;
	v12 =	vadd.f32 v19, v12  }
0x20a: {  	v19 =	vmul.f32 v14, v1;
	v14 =	vmul.f32 v16, v1;
	v15 =	vadd.s32 v20, v15;
	[tilespmem:s29+$0xE100] =	vst v13  }
0x20b: {  	v16 =	vmul.f32 v18, v1;
	v13 =	vcvt.s32.f32 v15;
	v15 =	vadd.s32 $0x3FFC, v15;
	[tilespmem:s29+$0x12100] =	vst v12;
	s29 =	smov.u32 s28;
	s28 =	smov.u32 s1  }
0x20c: {  	v11 =	vmul.f32 v11, v1;
	v18 =	vld.idx.msk [tilespmem:v10+s2+$0x0], $0xffff  }
0x20d: {  	v13 =	vsub.f32 v17, v13;
	v17 =	vld.idx.msk [tilespmem:v4+s2+$0x0], $0xffff  }
0x20e: {  	v11 =	vadd.f32 $7.364960150e+04, v11;
	v25 =	vadd.s32 $0x6, v2;
	v12 =	vadd.s32 $0x7, v2;
	v22 =	vld.idx.msk [tilespmem:v6+s2+$0x0], $0xffff  }
0x20f: {  	v14 =	vadd.f32 $3.469340750e+06, v14;
	v16 =	vadd.f32 $1.450280630e+06, v16;
	v20 =	vmul.f32 $3.945459380e+04, v13;
	v23 =	vld.idx.msk [tilespmem:v3+s2+$0x0], $0xffff  }
0x210: {  	v27 =	vadd.f32 $1.546192290e+04, v19;
	v19 =	vmul.f32 v11, v1;
	v24 =	vmul.f32 $-5.330284380e+05, v13;
	v26 =	vld.idx.msk [tilespmem:v2+s21+$0x0], $0xffff  }
0x211: {  	v31 =	vmul.f32 v16, v1;
	v29 =	vmul.f32 $9.874022650e+04, v13;
	v1 =	vmovc v13;
	v28 =	vadd.f32 $3.862057810e+04, v20;
	v30 =	vld.idx.msk [tilespmem:v5+s2+$0x0], $0xffff  }
0x212: {  	v13 =	vadd.f32 $1.552760550e+04, v19;
	v16 =	vmul.f32 $3.948199380e+05, v1;
	v11 =	vadd.f32 $1.191977970e+05, v20  }
0x213: {  	v19 =	vmul.f32 v28, v1;
	v17 =	vmul.f32 v14, v17;
	v28 =	vld.idx.msk [tilespmem:v2+s2+$0x0], $0xffff;
	v2 =	vand.u32 $0x3FFF, v15  }
0x214: {  	v33 =	vadd.f32 $-7.052322500e+05, v24;
	v15 =	vmul.f32 v7, v18;
	v32 =	vadd.s32 $0x1, v2;
	v20 =	vld.idx.msk [tilespmem:v10+s21+$0x0], $0xffff  }
0x215: {  	v10 =	vadd.f32 $1.708826760e+04, v19;
	v34 =	vadd.s32 $0x2, v2;
	v18 =	vmul.f32 v9, v23  }
0x216: {  	v33 =	vmul.f32 v33, v1;
	v19 =	vadd.f32 $-2.354119380e+05, v29;
	v35 =	vmul.f32 v21, v26;
	v36 =	vld.idx.msk [tilespmem:v6+s21+$0x0], $0xffff;
	v6 =	vmovc v32  }
0x217: {  	v10 =	vmul.f32 v10, v1;
	v32 =	vadd.s32 $0x3, v2;
	v30 =	vmul.f32 v8, v30;
	v23 =	vld.idx.msk [tilespmem:v25+s2+$0x0], $0xffff  }
0x218: {  	v22 =	vmul.f32 v27, v22;
	v26 =	vadd.f32 $1.277971380e+06, v33;
	v19 =	vmul.f32 v19, v1;
	v33 =	vld.idx.msk [tilespmem:v5+s21+$0x0], $0xffff;
	v5 =	vmovc v34  }
0x219: {  	v37 =	vadd.f32 $6.303728750e+05, v29;
	v10 =	vadd.f32 $2.483576900e+03, v10;
	v34 =	vadd.s32 $0x4, v2  }
0x21a: {  	v38 =	vadd.f32 $-5.743853750e+05, v16;
	v29 =	vmul.f32 v26, v1;
	v28 =	vmul.f32 v21, v28  }
0x21b: {  	v21 =	vmul.f32 v10, v1;
	v10 =	vadd.f32 $-1.426881630e+06, v24;
	v24 =	vadd.f32 $5.648523130e+05, v31;
	v26 =	vld.idx.msk [tilespmem:v4+s21+$0x0], $0xffff;
	v4 =	vmovc v32  }
.Ltmp3:
0x21c: {  	v29 =	vadd.f32 $-1.453845500e+06, v29;
	v31 =	vmul.f32 v38, v1;
	v32 =	vmul.f32 v27, v36;
	v25 =	vld.idx.msk [tilespmem:v25+s21+$0x0], $0xffff;
	(pc) =	sbr.rel @p0 .LBB2_8-.Ltmp3, $4  }
0x21d: {  	v36 =	vadd.f32 v22, v28;
	v27 =	vmul.f32 v10, v1;
	v10 =	vadd.s32 $0x5, v2  }
0x21e: {  	v38 =	vmul.f32 v29, v1;
	v39 =	vadd.f32 $-3.643497750e+06, v31;
	v31 =	vmul.f32 v8, v33;
	v29 =	vld.idx.msk [tilespmem:v3+s21+$0x0], $0xffff;
	v3 =	vmovc v34  }
0x21f: {  	v22 =	vmul.f32 v37, v1;
	v30 =	vadd.f32 v36, v30;
	v28 =	vadd.f32 $1.954972970e+05, v27  }
0x220: {  	v8 =	vadd.f32 $5.642270000e+05, v38;
	v32 =	vadd.f32 v32, v35;
	v27 =	vmul.f32 v39, v1  }
0x221: {  	_ =	sdelay $0x1  }
0x222: {  	v14 =	vmul.f32 v14, v26;
	v61 =	vadd.f32 v32, v31  }
0x223: {  	v17 =	vadd.f32 v30, v17  }
0x224: {  	v62 =	vld.idx.msk [tilespmem:v12+s2+$0x0], $0xffff;
	v9 =	vmul.f32 v9, v29;
	v14 =	vadd.f32 v61, v14  }
0x225: {  	v63 =	vld.idx.msk [tilespmem:v12+s21+$0x0], $0xffff;
	v17 =	vadd.f32 v17, v18  }
0x226: {  	v7 =	vmul.f32 v7, v20;
	v9 =	vadd.f32 v14, v9  }
0x227: {  	v23 =	vmul.f32 v24, v23;
	v15 =	vadd.f32 v17, v15  }
0x228: {  	v26 =	vmul.f32 v24, v25;
	v7 =	vadd.f32 v9, v7  }
0x229: {  	v29 =	vmul.f32 v13, v62;
	v14 =	vadd.f32 v15, v23  }
0x22a: {  	v12 =	vmul.f32 v63, v13;
	v7 =	vadd.f32 v7, v26  }
0x22b: {  	v30 =	vadd.f32 $2.153665000e+06, v16;
	v9 =	vadd.f32 v14, v29  }
0x22c: {  	v32 =	vadd.f32 $1.338457190e+05, v19;
	v7 =	vadd.f32 v7, v12  }
0x22d: {  	v33 =	vmul.f32 v30, v1;
	[tilespmem:s29+$0xE100] =	vst v9  }
0x22e: {  	v35 =	vmul.f32 v32, v1;
	[tilespmem:s29+$0x12100] =	vst v7  }
0x22f: {  	v12 =	vadd.f32 $4.485779690e+05, v33;
	v37 =	vld.idx.msk [tilespmem:v6+s2+$0x0], $0xffff  }
0x230: {  	v40 =	vadd.f32 $8.889943700e+01, v21;
	v11 =	vmul.f32 v11, v1;
	v13 =	vadd.f32 $-8.139252340e+04, v35;
	v38 =	vld.idx.msk [tilespmem:v2+s21+$0x0], $0xffff  }
0x231: {  	v42 =	vadd.f32 $1.432522880e+06, v22;
	v46 =	vadd.s32 $0x6, v2;
	v12 =	vmul.f32 v12, v1;
	v39 =	vld.idx.msk [tilespmem:v2+s2+$0x0], $0xffff  }
0x232: {  	v31 =	vmul.f32 v28, v1;
	v11 =	vadd.f32 $1.379540940e+05, v11;
	v13 =	vmul.f32 v13, v1;
	v41 =	vld.idx.msk [tilespmem:v6+s21+$0x0], $0xffff  }
0x233: {  	v36 =	vadd.f32 $-3.515712110e+04, v27;
	v18 =	vmul.f32 v42, v1;
	v43 =	vld.idx.msk [tilespmem:v5+s2+$0x0], $0xffff;
	v12 =	vadd.f32 $-3.949402500e+06, v12  }
0x234: {  	v34 =	vadd.f32 $3.993371000e+06, v31;
	v11 =	vmul.f32 v11, v1;
	v13 =	vadd.f32 $1.546192290e+04, v13;
	v44 =	vld.idx.msk [tilespmem:v5+s21+$0x0], $0xffff  }
0x235: {  	v51 =	vadd.f32 $1.450280630e+06, v18;
	v7 =	vmul.f32 v36, v1;
	v45 =	vld.idx.msk [tilespmem:v4+s2+$0x0], $0xffff;
	v12 =	vmul.f32 v12, v1  }
0x236: {  	v11 =	vadd.f32 $7.364960150e+04, v11;
	v47 =	vld.idx.msk [tilespmem:v4+s21+$0x0], $0xffff;
	v14 =	vmul.f32 v13, v37;
	v16 =	vmul.f32 v40, v39  }
0x237: {  	v2 =	vadd.s32 $0x7, v2;
	v48 =	vld.idx.msk [tilespmem:v3+s2+$0x0], $0xffff;
	v15 =	vmul.f32 v40, v38;
	v6 =	vmul.f32 v13, v41  }
0x238: {  	v3 =	vld.idx.msk [tilespmem:v3+s21+$0x0], $0xffff;
	v12 =	vadd.f32 $3.469340750e+06, v12;
	v49 =	vmul.f32 v8, v43;
	v14 =	vadd.f32 v14, v16  }
0x239: {  	v9 =	vmul.f32 v34, v1;
	v50 =	vld.idx.msk [tilespmem:v10+s2+$0x0], $0xffff;
	v5 =	vmul.f32 v8, v44;
	v6 =	vadd.f32 v6, v15  }
0x23a: {  	v53 =	vld.idx.msk [tilespmem:v10+s21+$0x0], $0xffff;
	v7 =	vadd.f32 $6.108476000e+06, v7;
	v52 =	vmul.f32 v12, v45;
	v13 =	vadd.f32 v14, v49  }
0x23b: {  	v55 =	vmul.f32 v51, v1;
	v54 =	vld.idx.msk [tilespmem:v46+s2+$0x0], $0xffff;
	v4 =	vmul.f32 v12, v47;
	v5 =	vadd.f32 v6, v5  }
0x23c: {  	v9 =	vadd.f32 $3.468247750e+06, v9;
	v57 =	vld.idx.msk [tilespmem:v46+s21+$0x0], $0xffff;
	v56 =	vmul.f32 v7, v48;
	v13 =	vadd.f32 v13, v52  }
0x23d: {  	v1 =	vmul.f32 v11, v1;
	v58 =	vld.idx.msk [tilespmem:v2+s2+$0x0], $0xffff;
	v3 =	vmul.f32 v7, v3;
	v4 =	vadd.f32 v5, v4  }
0x23e: {  	v59 =	vmul.f32 v9, v50;
	v2 =	vld.idx.msk [tilespmem:v2+s21+$0x0], $0xffff;
	v6 =	vadd.f32 $5.648523130e+05, v55;
	v60 =	vadd.f32 v13, v56  }
0x23f: {  	v61 =	vmul.f32 v9, v53;
	v3 =	vadd.f32 v4, v3  }
0x240: {  	v1 =	vadd.f32 $1.552760550e+04, v1;
	v62 =	vmul.f32 v6, v54;
	v5 =	vadd.f32 v60, v59  }
0x241: {  	v6 =	vmul.f32 v6, v57;
	v3 =	vadd.f32 v3, v61  }
0x242: {  	v63 =	vmul.f32 v1, v58;
	v5 =	vadd.f32 v5, v62  }
0x243: {  	v1 =	vmul.f32 v2, v1;
	v3 =	vadd.f32 v3, v6  }
0x244: {  	v2 =	vadd.f32 v5, v63  }
0x245: {  	v1 =	vadd.f32 v3, v1  }
0x246: {  	[tilespmem:s28+$0xE100] =	vst v2  }
0x247: {  	s1 =	simm.s32 $0xE100;
	[tilespmem:s28+$0x12100] =	vst v1  }
0x248: {  	[hbm4b:s16+s19] =	stream.strided.scatter [tilespmem:s1], [sflag:$0x6], $0x2000, s20, s19, $0x38;
	[tilespmem:$0x14100] =	vst v63  }
0x249: {  	_ = 	snop  }
0x24a: {  	[hbm4b:s17+s19] =	stream.strided.scatter [tilespmem:s0], [sflag:$0x6], $0x2000, s20, s19, $0x38;
	[tilespmem:$0x14100] =	vst v63  }
0x24b: {  	_ =	swait.ge [sflag:s22], $0x2000  }
0x24c: {  	[sflag:s22] =	ssyncset.done $0x0  }
0x24d: {  	[sflag:s22] =	ssyncadd.s32 $0xFFFFE000  }
0x24e: {  	_ =	swait.ge [sflag:s22], $0x2000  }
0x24f: {  	[sflag:s22] =	ssyncset.done $0x0  }
0x250: {  	s24 =	sadd.s32 $0x1, s24;
	[sflag:s22] =	ssyncadd.s32 $0xFFFFE000  }
0x251: {  	p0 =	sne.s32 s24, s18;
	_ =	swait.ge [sflag:s23], $0x2000  }
.Ltmp4:
0x252: {  	[sflag:s23] =	ssyncset.done $0x0;
	(pc) =	sbr.rel @p0 .LBB2_1-.Ltmp4, $4  }
0x253: {  	[sflag:s23] =	ssyncadd.s32 $0xFFFFE000  }
0x254: {  	_ =	swait.ge [sflag:s23], $0x2000  }
0x255: {  	[sflag:s23] =	ssyncset.done $0x0  }
0x256: {  	[sflag:s23] =	ssyncadd.s32 $0xFFFFE000  }
0x257: {  	_ =	sfence.sel $0x180000  }
0x258: {  	[bflag:$0x0] =	sbarrier.arrive $0xFFFF  }
0x259: {  	_ =	strace $0x90000047  }
0x25a: {  	s0 =	stileid.u32;
	[bflag:$0x2] =	sbarrier.arrive $0xFFFF  }
0x25b: {  	p0 =	sne.s32 s0, $0x0;
	s0 =	rddreg [dreg:$0x3]  }
0x25c: {  	s0 =	sadd.s32 @!p0 $0x100000, s0  }
0x25d: {  	[sflag:s0] =	ssyncadd.tile.s32 @!p0 $0x1;
	_ =	shalt  }
.Lfunc_end2:
_tile_overlayer_lowered:
.L_overlay_start_2:
0x25e: {  	(tag) =	ssettag $0x2  }
0x25f: {  	s0 =	rddreg [dreg:$0x0];
	s2 =	stileid.u32  }
0x260: {  	s1 =	rddreg [dreg:$0x1];
	p0 =	sne.s32 s2, $0x0  }
0x261: {  	s3 =	rddreg [dreg:$0x2];
	[bflag:$0x3] =	sbarrier.arrive $0xFFFF;
	s2 =	simm.s32 @!p0 $0x1C07  }
0x262: {  	[timem:s3], [sflag:s2] =	dma.local @!p0 [hbm:s0], s1  }
0x263: {  	s0 =	simm.s32 @!p0 $0x7  }
0x264: {  	_ =	swait.ge @!p0 [sflag:s0], s1  }
0x265: {  	s1 =	ssub.s32 @!p0 $0x0, s1;
	[sflag:s0] =	ssyncset.done @!p0 $0x0  }
0x266: {  	[sflag:s0] =	ssyncadd.s32 @!p0 s1  }
0x267: {  	[bflag:$0x3] =	sbarrier.arrive $0xFFFF  }
0x268: {  	_ =	shalt  }

</sc_bundles>
